<compile_context>
chip_gen: v7x
topology: tpu7x:2x2x1
jax: 0.10.2.dev20260603
libtpu: 0.0.44.dev20260713+nightly
codegen_flags: <defaults>
</compile_context>

<pallas_src>
import functools

import jax
import jax.numpy as jnp
from jax import lax
from jax.experimental import pallas as pl
from jax.experimental.pallas import tpu as pltpu
from jax.experimental.pallas import tpu_sc as plsc

_NC = 80
_BALANCE = (0.5, 1.0, 2.0)
_ALPHA = 0.25
_GAMMA = 2.0
_S = 3
_N = 33600
_T = 256
_RB = 1600
_NB = _N // _RB


def _xyxy(cx, cy, w, h):
    return cx - w * 0.5, cy - h * 0.5, cx + w * 0.5, cy + h * 0.5


def _pass1_body(p_ref, tt_ref, best_ref, bce_ref, rmax, ridx, cbuf):
    b = pl.program_id(1)

    tx1, ty1, tx2, ty2 = _xyxy(tt_ref[1:2, :], tt_ref[2:3, :],
                               tt_ref[3:4, :], tt_ref[4:5, :])
    ta = (tx2 - tx1) * (ty2 - ty1)

    px1, py1, px2, py2 = _xyxy(p_ref[0, :, 80:81], p_ref[0, :, 81:82],
                               p_ref[0, :, 82:83], p_ref[0, :, 83:84])
    pa = (px2 - px1) * (py2 - py1)

    ix1 = jnp.maximum(px1, tx1)
    iy1 = jnp.maximum(py1, ty1)
    ix2 = jnp.minimum(px2, tx2)
    iy2 = jnp.minimum(py2, ty2)
    inter = jnp.maximum(ix2 - ix1, 0.0) * jnp.maximum(iy2 - iy1, 0.0)
    iou = inter / (pa + ta - inter + 1e-7)

    bm = jnp.max(iou, axis=0, keepdims=True)
    rio = lax.broadcasted_iota(jnp.int32, (_RB, _T), 0)
    li = jnp.min(jnp.where(iou == bm, rio, _RB), axis=0, keepdims=True)
    cand = li + b * _RB

    @pl.when(b == 0)
    def _():
        rmax[...] = jnp.full((1, _T), -1.0, jnp.float32)
        ridx[...] = jnp.zeros((1, _T), jnp.int32)
        cbuf[...] = jnp.full((_RB, 32), -1.0, jnp.float32)

    better = bm > rmax[...]
    ridx[...] = jnp.where(better, cand, ridx[...])
    rmax[...] = jnp.where(better, bm, rmax[...])

    lane = lax.broadcasted_iota(jnp.int32, (_RB, 32), 1)
    cbuf[...] = jnp.where(lane == b, p_ref[0, :, 84:85], cbuf[...])

    @pl.when(b == _NB - 1)
    def _():
        xs = cbuf[...]
        sp = jnp.maximum(xs, 0.0) + jnp.log1p(jnp.exp(-jnp.abs(xs)))
        sp = jnp.where(lane < _NB, sp, 0.0)
        best_ref[0, :, :] = ridx[...]
        bce_ref[0, :, :] = jnp.full((1, 1), 0.0, jnp.float32) + jnp.sum(sp)


def _pass1(preds_flat, flat_tt):
    return pl.pallas_call(
        _pass1_body,
        grid=(_S, _NB),
        in_specs=[
            pl.BlockSpec((1, _RB, 85), lambda s, b: (s, b, 0)),
            pl.BlockSpec((6, _T), lambda s, b: (0, 0)),
        ],
        out_specs=[
            pl.BlockSpec((1, 1, _T), lambda s, b: (s, 0, 0)),
            pl.BlockSpec((1, 1, 1), lambda s, b: (s, 0, 0)),
        ],
        out_shape=[
            jax.ShapeDtypeStruct((_S, 1, _T), jnp.int32),
            jax.ShapeDtypeStruct((_S, 1, 1), jnp.float32),
        ],
        scratch_shapes=[
            pltpu.VMEM((1, _T), jnp.float32),
            pltpu.VMEM((1, _T), jnp.int32),
            pltpu.VMEM((_RB, 32), jnp.float32),
        ],
    )(preds_flat, flat_tt)


def _repack_body(in_ref, out_ref):
    out_ref[:, 0:85] = in_ref[...]


def _repack(preds2d):
    blk = 1600
    return pl.pallas_call(
        _repack_body,
        grid=(preds2d.shape[0] // blk,),
        in_specs=[pl.BlockSpec((blk, 85), lambda i: (i, 0))],
        out_specs=pl.BlockSpec((blk, 128), lambda i: (i, 0)),
        out_shape=jax.ShapeDtypeStruct((preds2d.shape[0], 128), jnp.float32),
    )(preds2d)


def _sc_gather(table, gidx):
    info = plsc.get_sparse_core_info()
    nw = info.num_cores * info.num_subcores
    b_total = gidx.shape[0]
    bpw = b_total // nw
    d = table.shape[1]

    mesh = plsc.VectorSubcoreMesh(core_axis_name="c", subcore_axis_name="s")

    @functools.partial(
        pl.kernel,
        mesh=mesh,
        out_type=jax.ShapeDtypeStruct((b_total, d), jnp.float32),
        scratch_types=[
            pltpu.VMEM((bpw,), jnp.int32),
            pltpu.VMEM((bpw, d), jnp.float32),
            pltpu.SemaphoreType.DMA,
        ],
    )
    def gather(table_hbm, idx_hbm, out_hbm, idx_v, rows_v, sem):
        wid = lax.axis_index("s") * info.num_cores + lax.axis_index("c")
        base = wid * bpw
        pltpu.sync_copy(idx_hbm.at[pl.ds(base, bpw)], idx_v)
        pltpu.async_copy(table_hbm.at[idx_v], rows_v, sem).wait()
        pltpu.sync_copy(rows_v, out_hbm.at[pl.ds(base, bpw)])

    return gather(table, gidx)


def _final_body(g_ref, t_ref, tt_ref, b_ref, bt_ref, bce_ref, out_ref):
    m = (t_ref[:, 5:6] > 0.0).astype(jnp.float32)
    mrow = (tt_ref[5:6, :] > 0.0).astype(jnp.float32)
    count = jnp.sum(m)
    denom = jnp.maximum(count, 1.0)

    tx1c, ty1c, tx2c, ty2c = _xyxy(t_ref[:, 1:2], t_ref[:, 2:3],
                                   t_ref[:, 3:4], t_ref[:, 4:5])
    tx1r, ty1r, tx2r, ty2r = _xyxy(tt_ref[1:2, :], tt_ref[2:3, :],
                                   tt_ref[3:4, :], tt_ref[4:5, :])
    ta_r = (tx2r - tx1r) * (ty2r - ty1r)

    tcls = t_ref[:, 0:1].astype(jnp.int32)
    cio = lax.broadcasted_iota(jnp.int32, (_T, _NC), 1)
    oh = cio == tcls
    tb = t_ref[:, 1:5]
    jidx = lax.broadcasted_iota(jnp.int32, (_T, _T), 0)
    kidx = lax.broadcasted_iota(jnp.int32, (_T, _T), 1)
    prior = kidx < jidx

    total = jnp.float32(0.0)
    for s in range(_S):
        gs = g_ref[s]
        vcls = gs[:, 0:_NC]
        vb = gs[:, _NC:_NC + 4]
        vconf = gs[:, 84:85]

        pt = jnp.where(oh, vcls, 1.0 - vcls)
        fl = -_ALPHA * (1.0 - pt) * (1.0 - pt) * jnp.log(pt + 1e-7)
        cls_loss = jnp.sum(fl * m) / (denom * _NC)

        px1, py1, px2, py2 = _xyxy(gs[:, 80:81], gs[:, 81:82],
                                   gs[:, 82:83], gs[:, 83:84])
        pa = (px2 - px1) * (py2 - py1)
        ix1 = jnp.maximum(px1, tx1r)
        iy1 = jnp.maximum(py1, ty1r)
        ix2 = jnp.minimum(px2, tx2r)
        iy2 = jnp.minimum(py2, ty2r)
        inter = jnp.maximum(ix2 - ix1, 0.0) * jnp.maximum(iy2 - iy1, 0.0)
        pair_iou = inter / (pa + ta_r - inter + 1e-7)
        mean_iou = jnp.sum(pair_iou * (m * mrow)) / (denom * denom)

        dlt = jnp.abs(vb - tb)
        l1 = jnp.where(dlt < 1.0, 0.5 * dlt * dlt, dlt - 0.5)
        sl1 = jnp.sum(l1 * m) / (denom * 4.0)
        bbox_loss = (1.0 - mean_iou) + sl1

        bcol = bt_ref[:, s:s + 1]
        brow = b_ref[s:s + 1, :]
        same = (bcol == brow).astype(jnp.float32)
        dup = jnp.sum(same * prior.astype(jnp.float32) * mrow,
                      axis=1, keepdims=True)
        w = m * (dup == 0.0).astype(jnp.float32)
        dsum = jnp.sum(w * vconf)
        bce_s = jnp.sum(bce_ref[s:s + 1, 0:1])
        conf_loss = (bce_s - dsum) / jnp.float32(_N)

        cls_loss = jnp.where(count > 0, cls_loss, 0.0)
        bbox_loss = jnp.where(count > 0, bbox_loss, 0.0)
        total = total + (cls_loss + bbox_loss + conf_loss) * _BALANCE[s]

    out_ref[...] = jnp.full((1, 1), 0.0, jnp.float32) + total / jnp.float32(_S)


def _final(g, flat_t, flat_tt, best, best_t, bce):
    return pl.pallas_call(
        _final_body,
        out_shape=jax.ShapeDtypeStruct((1, 1), jnp.float32),
    )(g, flat_t, flat_tt, best, best_t, bce)


def kernel(predictions, targets):
    preds_flat = predictions.reshape(_S, _N, 85)
    flat_t = targets.reshape(_T, 6)
    flat_tt = flat_t.T

    best3, bce3 = _pass1(preds_flat, flat_tt)
    best = best3.reshape(_S, _T)
    bce = bce3.reshape(_S, 1)

    gidx = (best + jnp.arange(_S, dtype=jnp.int32)[:, None] * _N).reshape(-1)
    table = _repack(preds_flat.reshape(_S * _N, 85))
    g = _sc_gather(table, gidx).reshape(_S, _T, 128)

    out = _final(g, flat_t, flat_tt, best, best.T, bce)
    return out[0, 0]

# --- scband reference (transcript-rebuilt; emitter-appended) ---
"""Pipeline reference for scband-yolov8-loss-72344429134007 (READ-ONLY COPY).

The authoritative reference and input builder live on the scoring server;
editing this copy changes nothing except your own understanding.
"""

import jax, jax.numpy as jnp
import numpy as np

NUM_CLASSES = 80
BALANCE = [0.5, 1.0, 2.0]
ALPHA = 0.25
GAMMA = 2.0


def _xywh2xyxy(x):
    return jnp.stack([
        x[..., 0] - x[..., 2] / 2,
        x[..., 1] - x[..., 3] / 2,
        x[..., 0] + x[..., 2] / 2,
        x[..., 1] + x[..., 3] / 2,
    ], axis=-1)


def _bbox_iou(pred_boxes, true_boxes, eps=1e-7):
    p = _xywh2xyxy(pred_boxes)
    t = _xywh2xyxy(true_boxes)
    b1_x1, b1_y1, b1_x2, b1_y2 = p[:, 0], p[:, 1], p[:, 2], p[:, 3]
    b2_x1, b2_y1, b2_x2, b2_y2 = t[:, 0], t[:, 1], t[:, 2], t[:, 3]
    ix1 = jnp.maximum(b1_x1[:, None], b2_x1)
    iy1 = jnp.maximum(b1_y1[:, None], b2_y1)
    ix2 = jnp.minimum(b1_x2[:, None], b2_x2)
    iy2 = jnp.minimum(b1_y2[:, None], b2_y2)
    inter = jnp.maximum(ix2 - ix1, 0.0) * jnp.maximum(iy2 - iy1, 0.0)
    pa = (b1_x2 - b1_x1) * (b1_y2 - b1_y1)
    ta = (b2_x2 - b2_x1) * (b2_y2 - b2_y1)
    union = pa[:, None] + ta - inter
    return inter / (union + eps)


def _smooth_l1(pred, target, m, denom):
    d = jnp.abs(pred - target)
    l = jnp.where(d < 1.0, 0.5 * d * d, d - 0.5)
    return jnp.sum(l * m[:, None]) / (denom * pred.shape[-1])


def _bce_with_logits(logits, targets):
    return jnp.mean(jnp.maximum(logits, 0.0) - logits * targets + jnp.log1p(jnp.exp(-jnp.abs(logits))))


def _focal_cls_loss(pred_cls, true_cls, m, denom):
    oh = jax.nn.one_hot(true_cls.astype(jnp.int32), NUM_CLASSES, dtype=jnp.float32)
    pt = jnp.where(oh == 1.0, pred_cls, 1.0 - pred_cls)
    l = -ALPHA * (1.0 - pt) ** GAMMA * jnp.log(pt + 1e-7)
    return jnp.sum(l * m[:, None]) / (denom * NUM_CLASSES)


def _loss(predictions, targets, mask):
    nc = NUM_CLASSES
    flat_targets = targets.reshape(-1, targets.shape[-1])
    m = mask.reshape(-1).astype(jnp.float32)
    count = jnp.sum(m)
    denom = jnp.maximum(count, 1.0)
    total = jnp.float32(0.0)
    for s in range(predictions.shape[0]):
        pred = predictions[s]
        pred_cls = pred[..., :nc]
        pred_boxes = pred[..., nc:nc + 4]
        conf_pred = pred[..., -1].reshape(-1)
        conf_target = jnp.zeros_like(conf_pred)
        pbr = pred_boxes.reshape(-1, 4)
        tb = flat_targets[:, 1:5]
        ious = _bbox_iou(pbr, tb)
        best = jnp.argmax(ious, axis=0)
        vpc = pred_cls.reshape(-1, nc)[best]
        vpb = pbr[best]
        cls_loss = _focal_cls_loss(vpc, flat_targets[:, 0], m, denom)
        pair_iou = _bbox_iou(vpb, tb)
        pair_mask = m[:, None] * m[None, :]
        mean_iou = jnp.sum(pair_iou * pair_mask) / (denom * denom)
        bbox_loss = (1.0 - mean_iou) + _smooth_l1(vpb, tb, m, denom)
        cls_loss = jnp.where(count > 0, cls_loss, 0.0)
        bbox_loss = jnp.where(count > 0, bbox_loss, 0.0)
        conf_target = conf_target.at[best].max(m)
        conf_loss = _bce_with_logits(conf_pred, conf_target)
        total = total + (cls_loss + bbox_loss + conf_loss) * BALANCE[s]
    return total / predictions.shape[0]


def setup_inputs(seed: int = 0) -> dict:
    key = jax.random.key(seed)
    k1, k2 = jax.random.split(key)
    predictions = jax.random.uniform(k1, (3, 4, 8400, 85), dtype=jnp.float32)
    targets = jax.random.uniform(k2, (4, 64, 6), dtype=jnp.float32)
    return {"predictions": predictions, "targets": targets}


def reference(predictions, targets):
    mask = targets[..., -1] > 0
    return _loss(predictions, targets, mask)

if __name__ == "__main__":
    import jax
    _d = setup_inputs()
    print(jax.jit(kernel)(*tuple(_d.values())))

</pallas_src>

<mosaic_0001>
#map = affine_map<(d0, d1) -> (0, 0)>
#map1 = affine_map<(d0, d1) -> (0)>
module attributes {stable_mosaic.version = 14 : i64} {
  func.func @gather(%arg0: i32, %arg1: i32, %arg2: memref<100800x128xf32, #tpu.memory_space<hbm>>, %arg3: memref<768xi32, #tpu.memory_space<hbm>>, %arg4: memref<768x128xf32, #tpu.memory_space<hbm>>, %arg5: memref<24xi32, #tpu.memory_space<vmem>>, %arg6: memref<24x128xf32, #tpu.memory_space<vmem>>, %arg7: memref<!tpu.dma_semaphore, #tpu.memory_space<semaphore_mem>>) attributes {dimension_semantics = [#tpu.dimension_semantics<core_parallel>, #tpu.dimension_semantics<subcore_parallel>], iteration_bounds = array<i64: 2, 16>, scalar_prefetch = 0 : i64, scratch_operands = 3 : i64, tpu.core_type = #tpu.core_type<sc_vector_subcore>, window_params = [{transform_indices = #map}, {transform_indices = #map1}, {transform_indices = #map}]} {
    %mul3A = arith.constant 2 : i32
    %mul3A_0 = arith.muli %arg1, %mul3A : i32
    %add3A = arith.addi %mul3A_0, %arg0 : i32
    %mul3A_1 = arith.constant 24 : i32
    %mul3A_2 = arith.muli %add3A, %mul3A_1 : i32
    "tpu.region"() ({
      %run_scoped3A = tpu.sem_alloc : memref<!tpu.dma_semaphore, #tpu.memory_space<semaphore_mem>>
      %dma_start3A_7 = tpu.memref_slice %arg3[%mul3A_2] : memref<768xi32, #tpu.memory_space<hbm>> -> memref<24xi32, #tpu.memory_space<hbm>>
      %dma_start3A_8 = tpu.memref_slice %arg3[%mul3A_2] : memref<768xi32, #tpu.memory_space<hbm>> -> memref<24xi32, #tpu.memory_space<hbm>>
      tpu.enqueue_dma source(%dma_start3A_8 : memref<24xi32, #tpu.memory_space<hbm>>) target(%arg5 : memref<24xi32, #tpu.memory_space<vmem>>) target_semaphore(%run_scoped3A : memref<!tpu.dma_semaphore, #tpu.memory_space<semaphore_mem>>)
      %dma_wait3A_9 = tpu.memref_slice %arg3[%mul3A_2] : memref<768xi32, #tpu.memory_space<hbm>> -> memref<24xi32, #tpu.memory_space<hbm>>
      %dma_wait3A_10 = tpu.memref_slice %arg3[%mul3A_2] : memref<768xi32, #tpu.memory_space<hbm>> -> memref<24xi32, #tpu.memory_space<hbm>>
      tpu.wait_dma2 semaphore(%run_scoped3A : memref<!tpu.dma_semaphore, #tpu.memory_space<semaphore_mem>>) src(%dma_wait3A_10 : memref<24xi32, #tpu.memory_space<hbm>>) dst(%arg5 : memref<24xi32, #tpu.memory_space<vmem>>)
      tpu.yield
    }) : () -> ()
    %dma_start3A = arith.constant 0 : i32
    %dma_start3A_3 = arith.constant 0 : i32
    %dma_start3A_4 = tpu.memref_slice %arg2[%dma_start3A, %dma_start3A_3] : memref<100800x128xf32, #tpu.memory_space<hbm>> -> memref<100800x128xf32, #tpu.memory_space<hbm>>
    tpu.enqueue_indirect_dma source(%dma_start3A_4 : memref<100800x128xf32, #tpu.memory_space<hbm>>) target(%arg6 : memref<24x128xf32, #tpu.memory_space<vmem>>) offsets(%arg5 : memref<24xi32, #tpu.memory_space<vmem>>) semaphore(%arg7 : memref<!tpu.dma_semaphore, #tpu.memory_space<semaphore_mem>>)
    %dma_wait3A = arith.constant 0 : i32
    %dma_wait3A_5 = arith.constant 0 : i32
    %dma_wait3A_6 = tpu.memref_slice %arg2[%dma_wait3A, %dma_wait3A_5] : memref<100800x128xf32, #tpu.memory_space<hbm>> -> memref<100800x128xf32, #tpu.memory_space<hbm>>
    tpu.wait_indirect_dma semaphore(%arg7 : memref<!tpu.dma_semaphore, #tpu.memory_space<semaphore_mem>>) src(%dma_wait3A_6 : memref<100800x128xf32, #tpu.memory_space<hbm>>) dst(%arg6 : memref<24x128xf32, #tpu.memory_space<vmem>>)
    "tpu.region"() ({
      %run_scoped3A = tpu.sem_alloc : memref<!tpu.dma_semaphore, #tpu.memory_space<semaphore_mem>>
      %dma_start3A_7 = arith.constant 0 : i32
      %dma_start3A_8 = tpu.memref_slice %arg4[%mul3A_2, %dma_start3A_7] : memref<768x128xf32, #tpu.memory_space<hbm>> -> memref<24x128xf32, #tpu.memory_space<hbm>>
      %dma_start3A_9 = arith.constant 0 : i32
      %dma_start3A_10 = tpu.memref_slice %arg4[%mul3A_2, %dma_start3A_9] : memref<768x128xf32, #tpu.memory_space<hbm>> -> memref<24x128xf32, #tpu.memory_space<hbm>>
      tpu.enqueue_dma source(%arg6 : memref<24x128xf32, #tpu.memory_space<vmem>>) target(%dma_start3A_10 : memref<24x128xf32, #tpu.memory_space<hbm>>) target_semaphore(%run_scoped3A : memref<!tpu.dma_semaphore, #tpu.memory_space<semaphore_mem>>)
      %dma_wait3A_11 = arith.constant 0 : i32
      %dma_wait3A_12 = tpu.memref_slice %arg4[%mul3A_2, %dma_wait3A_11] : memref<768x128xf32, #tpu.memory_space<hbm>> -> memref<24x128xf32, #tpu.memory_space<hbm>>
      %dma_wait3A_13 = arith.constant 0 : i32
      %dma_wait3A_14 = tpu.memref_slice %arg4[%mul3A_2, %dma_wait3A_13] : memref<768x128xf32, #tpu.memory_space<hbm>> -> memref<24x128xf32, #tpu.memory_space<hbm>>
      tpu.wait_dma2 semaphore(%run_scoped3A : memref<!tpu.dma_semaphore, #tpu.memory_space<semaphore_mem>>) src(%arg6 : memref<24x128xf32, #tpu.memory_space<vmem>>) dst(%dma_wait3A_14 : memref<24x128xf32, #tpu.memory_space<hbm>>)
      tpu.yield
    }) : () -> ()
    return
  }
}

module attributes {stable_mosaic.version = 14 : i64} {
  func.func @_repack_body(%arg0: i32, %arg1: memref<1600x85xf32, #tpu.memory_space<vmem>>, %arg2: memref<1600x128xf32, #tpu.memory_space<vmem>>) attributes {dimension_semantics = [#tpu.dimension_semantics<arbitrary>], iteration_bounds = array<i64: 63>, scalar_prefetch = 0 : i64, scratch_operands = 0 : i64, tpu.core_type = #tpu.core_type<tc>, window_params = [{transform_indices = @transform_0, window_bounds = array<i64: 1600, 85>}, {transform_indices = @transform_1, window_bounds = array<i64: 1600, 128>}]} {
    %get3A = arith.constant 0 : index
    %get3A_0 = arith.constant 0 : index
    %get3A_1 = vector.load %arg1[%get3A, %get3A_0] : memref<1600x85xf32, #tpu.memory_space<vmem>>, vector<1600x85xf32>
    %swap3A = arith.constant 0 : index
    %swap3A_2 = arith.constant 0 : index
    %swap3A_3 = vector.load %arg2[%swap3A, %swap3A_2] : memref<1600x128xf32, #tpu.memory_space<vmem>>, vector<1600x85xf32>
    tpu.vector_store %arg2[%swap3A, %swap3A_2], %get3A_1 {strides = array<i32>} : memref<1600x128xf32, #tpu.memory_space<vmem>>, vector<1600x85xf32>,
    return
  }
  func.func @transform_0(%arg0: i32) -> (i32, i32) {
    %c0_i32 = arith.constant 0 : i32
    %c0_i32_0 = arith.constant 0 : i32
    return %arg0, %c0_i32 : i32, i32
  }
  func.func @transform_1(%arg0: i32) -> (i32, i32) {
    %c0_i32 = arith.constant 0 : i32
    %c0_i32_0 = arith.constant 0 : i32
    return %arg0, %c0_i32 : i32, i32
  }
}

module attributes {stable_mosaic.version = 14 : i64} {
  func.func @_pass1_body(%arg0: i32, %arg1: i32, %arg2: memref<1x1600x85xf32, #tpu.memory_space<vmem>>, %arg3: memref<6x256xf32, #tpu.memory_space<vmem>>, %arg4: memref<1x1x256xi32, #tpu.memory_space<vmem>>, %arg5: memref<1x1x1xf32, #tpu.memory_space<vmem>>, %arg6: memref<1x256xf32, #tpu.memory_space<vmem>>, %arg7: memref<1x256xi32, #tpu.memory_space<vmem>>, %arg8: memref<1600x32xf32, #tpu.memory_space<vmem>>) attributes {dimension_semantics = [#tpu.dimension_semantics<arbitrary>, #tpu.dimension_semantics<arbitrary>], iteration_bounds = array<i64: 3, 21>, scalar_prefetch = 0 : i64, scratch_operands = 3 : i64, tpu.core_type = #tpu.core_type<tc>, window_params = [{transform_indices = @transform_0, window_bounds = array<i64: 1, 1600, 85>}, {pipeline_mode = #tpu.pipeline_mode<synchronous>, transform_indices = @transform_1, window_bounds = array<i64: 6, 256>}, {transform_indices = @transform_2, window_bounds = array<i64: 1, 1, 256>}, {transform_indices = @transform_3, window_bounds = array<i64: 1, 1, 1>}]} {
    %get3A = arith.constant 1 : index
    %get3A_0 = arith.constant 0 : index
    %get3A_1 = vector.load %arg3[%get3A, %get3A_0] : memref<6x256xf32, #tpu.memory_space<vmem>>, vector<1x256xf32>
    %get3A_2 = arith.constant 2 : index
    %get3A_3 = arith.constant 0 : index
    %get3A_4 = vector.load %arg3[%get3A_2, %get3A_3] : memref<6x256xf32, #tpu.memory_space<vmem>>, vector<1x256xf32>
    %get3A_5 = arith.constant 3 : index
    %get3A_6 = arith.constant 0 : index
    %get3A_7 = vector.load %arg3[%get3A_5, %get3A_6] : memref<6x256xf32, #tpu.memory_space<vmem>>, vector<1x256xf32>
    %get3A_8 = arith.constant 4 : index
    %get3A_9 = arith.constant 0 : index
    %get3A_10 = vector.load %arg3[%get3A_8, %get3A_9] : memref<6x256xf32, #tpu.memory_space<vmem>>, vector<1x256xf32>
    %mul3A = arith.constant 5.000000e-01 : f32
    %mul3A_11 = vector.broadcast %mul3A : f32 to vector<1x256xf32>
    %mul3A_12 = arith.mulf %get3A_7, %mul3A_11 : vector<1x256xf32>
    %sub3A = arith.subf %get3A_1, %mul3A_12 : vector<1x256xf32>
    %mul3A_13 = arith.constant 5.000000e-01 : f32
    %mul3A_14 = vector.broadcast %mul3A_13 : f32 to vector<1x256xf32>
    %mul3A_15 = arith.mulf %get3A_10, %mul3A_14 : vector<1x256xf32>
    %sub3A_16 = arith.subf %get3A_4, %mul3A_15 : vector<1x256xf32>
    %mul3A_17 = arith.constant 5.000000e-01 : f32
    %mul3A_18 = vector.broadcast %mul3A_17 : f32 to vector<1x256xf32>
    %mul3A_19 = arith.mulf %get3A_7, %mul3A_18 : vector<1x256xf32>
    %add3A = arith.addf %get3A_1, %mul3A_19 : vector<1x256xf32>
    %mul3A_20 = arith.constant 5.000000e-01 : f32
    %mul3A_21 = vector.broadcast %mul3A_20 : f32 to vector<1x256xf32>
    %mul3A_22 = arith.mulf %get3A_10, %mul3A_21 : vector<1x256xf32>
    %add3A_23 = arith.addf %get3A_4, %mul3A_22 : vector<1x256xf32>
    %sub3A_24 = arith.subf %add3A, %sub3A : vector<1x256xf32>
    %sub3A_25 = arith.subf %add3A_23, %sub3A_16 : vector<1x256xf32>
    %mul3A_26 = arith.mulf %sub3A_24, %sub3A_25 : vector<1x256xf32>
    %get3A_27 = arith.constant 0 : index
    %get3A_28 = arith.constant 0 : index
    %get3A_29 = arith.constant 80 : index
    %get3A_30 = vector.load %arg2[%get3A_27, %get3A_28, %get3A_29] : memref<1x1600x85xf32, #tpu.memory_space<vmem>>, vector<1x1600x1xf32>
    %get3A_31 = vector.shape_cast %get3A_30 : vector<1x1600x1xf32> to vector<1600x1xf32>
    %get3A_32 = arith.constant 0 : index
    %get3A_33 = arith.constant 0 : index
    %get3A_34 = arith.constant 81 : index
    %get3A_35 = vector.load %arg2[%get3A_32, %get3A_33, %get3A_34] : memref<1x1600x85xf32, #tpu.memory_space<vmem>>, vector<1x1600x1xf32>
    %get3A_36 = vector.shape_cast %get3A_35 : vector<1x1600x1xf32> to vector<1600x1xf32>
    %get3A_37 = arith.constant 0 : index
    %get3A_38 = arith.constant 0 : index
    %get3A_39 = arith.constant 82 : index
    %get3A_40 = vector.load %arg2[%get3A_37, %get3A_38, %get3A_39] : memref<1x1600x85xf32, #tpu.memory_space<vmem>>, vector<1x1600x1xf32>
    %get3A_41 = vector.shape_cast %get3A_40 : vector<1x1600x1xf32> to vector<1600x1xf32>
    %get3A_42 = arith.constant 0 : index
    %get3A_43 = arith.constant 0 : index
    %get3A_44 = arith.constant 83 : index
    %get3A_45 = vector.load %arg2[%get3A_42, %get3A_43, %get3A_44] : memref<1x1600x85xf32, #tpu.memory_space<vmem>>, vector<1x1600x1xf32>
    %get3A_46 = vector.shape_cast %get3A_45 : vector<1x1600x1xf32> to vector<1600x1xf32>
    %mul3A_47 = arith.constant 5.000000e-01 : f32
    %mul3A_48 = vector.broadcast %mul3A_47 : f32 to vector<1600x1xf32>
    %mul3A_49 = arith.mulf %get3A_41, %mul3A_48 : vector<1600x1xf32>
    %sub3A_50 = arith.subf %get3A_31, %mul3A_49 : vector<1600x1xf32>
    %mul3A_51 = arith.constant 5.000000e-01 : f32
    %mul3A_52 = vector.broadcast %mul3A_51 : f32 to vector<1600x1xf32>
    %mul3A_53 = arith.mulf %get3A_46, %mul3A_52 : vector<1600x1xf32>
    %sub3A_54 = arith.subf %get3A_36, %mul3A_53 : vector<1600x1xf32>
    %mul3A_55 = arith.constant 5.000000e-01 : f32
    %mul3A_56 = vector.broadcast %mul3A_55 : f32 to vector<1600x1xf32>
    %mul3A_57 = arith.mulf %get3A_41, %mul3A_56 : vector<1600x1xf32>
    %add3A_58 = arith.addf %get3A_31, %mul3A_57 : vector<1600x1xf32>
    %mul3A_59 = arith.constant 5.000000e-01 : f32
    %mul3A_60 = vector.broadcast %mul3A_59 : f32 to vector<1600x1xf32>
    %mul3A_61 = arith.mulf %get3A_46, %mul3A_60 : vector<1600x1xf32>
    %add3A_62 = arith.addf %get3A_36, %mul3A_61 : vector<1600x1xf32>
    %sub3A_63 = arith.subf %add3A_58, %sub3A_50 : vector<1600x1xf32>
    %sub3A_64 = arith.subf %add3A_62, %sub3A_54 : vector<1600x1xf32>
    %mul3A_65 = arith.mulf %sub3A_63, %sub3A_64 : vector<1600x1xf32>
    %max3A = vector.broadcast %sub3A_50 : vector<1600x1xf32> to vector<1600x256xf32>
    %max3A_66 = vector.broadcast %sub3A : vector<1x256xf32> to vector<1600x256xf32>
    %max3A_67 = arith.maximumf %max3A, %max3A_66 : vector<1600x256xf32>
    %max3A_68 = vector.broadcast %sub3A_54 : vector<1600x1xf32> to vector<1600x256xf32>
    %max3A_69 = vector.broadcast %sub3A_16 : vector<1x256xf32> to vector<1600x256xf32>
    %max3A_70 = arith.maximumf %max3A_68, %max3A_69 : vector<1600x256xf32>
    %min3A = vector.broadcast %add3A_58 : vector<1600x1xf32> to vector<1600x256xf32>
    %min3A_71 = vector.broadcast %add3A : vector<1x256xf32> to vector<1600x256xf32>
    %min3A_72 = arith.minimumf %min3A, %min3A_71 : vector<1600x256xf32>
    %min3A_73 = vector.broadcast %add3A_62 : vector<1600x1xf32> to vector<1600x256xf32>
    %min3A_74 = vector.broadcast %add3A_23 : vector<1x256xf32> to vector<1600x256xf32>
    %min3A_75 = arith.minimumf %min3A_73, %min3A_74 : vector<1600x256xf32>
    %sub3A_76 = arith.subf %min3A_72, %max3A_67 : vector<1600x256xf32>
    %max3A_77 = arith.constant 0.000000e+00 : f32
    %max3A_78 = vector.broadcast %max3A_77 : f32 to vector<1600x256xf32>
    %max3A_79 = arith.maximumf %sub3A_76, %max3A_78 : vector<1600x256xf32>
    %sub3A_80 = arith.subf %min3A_75, %max3A_70 : vector<1600x256xf32>
    %max3A_81 = arith.constant 0.000000e+00 : f32
    %max3A_82 = vector.broadcast %max3A_81 : f32 to vector<1600x256xf32>
    %max3A_83 = arith.maximumf %sub3A_80, %max3A_82 : vector<1600x256xf32>
    %mul3A_84 = arith.mulf %max3A_79, %max3A_83 : vector<1600x256xf32>
    %add3A_85 = vector.broadcast %mul3A_65 : vector<1600x1xf32> to vector<1600x256xf32>
    %add3A_86 = vector.broadcast %mul3A_26 : vector<1x256xf32> to vector<1600x256xf32>
    %add3A_87 = arith.addf %add3A_85, %add3A_86 : vector<1600x256xf32>
    %sub3A_88 = arith.subf %add3A_87, %mul3A_84 : vector<1600x256xf32>
    %add3A_89 = arith.constant 1.000000e-07 : f32
    %add3A_90 = vector.broadcast %add3A_89 : f32 to vector<1600x256xf32>
    %add3A_91 = arith.addf %sub3A_88, %add3A_90 : vector<1600x256xf32>
    %div3A = arith.divf %mul3A_84, %add3A_91 : vector<1600x256xf32>
    %reduce_max3A = arith.constant dense<0xFF800000> : vector<256xf32>
    %reduce_max3A_92 = vector.multi_reduction <maximumf>, %div3A, %reduce_max3A [0] : vector<1600x256xf32> to vector<256xf32>
    %broadcast_in_dim3A = vector.shape_cast %reduce_max3A_92 : vector<256xf32> to vector<1x256xf32>
    %iota3A = tpu.iota {dimensions = array<i32: 0>} : vector<1600x256xi32>
    %eq3A = vector.broadcast %broadcast_in_dim3A : vector<1x256xf32> to vector<1600x256xf32>
    %eq3A_93 = arith.cmpf oeq, %div3A, %eq3A : vector<1600x256xf32>
    %jit3A = arith.constant 1600 : i32
    %broadcast_in_dim3A_94 = vector.broadcast %jit3A : i32 to vector<1600x256xi32>
    %select_n3A = arith.select %eq3A_93, %iota3A, %broadcast_in_dim3A_94 : vector<1600x256xi1>, vector<1600x256xi32>
    %reduce_min3A = arith.constant dense<2147483647> : vector<256xi32>
    %reduce_min3A_95 = vector.multi_reduction <minsi>, %select_n3A, %reduce_min3A [0] : vector<1600x256xi32> to vector<256xi32>
    %broadcast_in_dim3A_96 = vector.shape_cast %reduce_min3A_95 : vector<256xi32> to vector<1x256xi32>
    %mul3A_97 = arith.constant 1600 : i32
    %mul3A_98 = arith.muli %arg1, %mul3A_97 : i32
    %add3A_99 = vector.broadcast %mul3A_98 : i32 to vector<1x256xi32>
    %add3A_100 = arith.addi %broadcast_in_dim3A_96, %add3A_99 : vector<1x256xi32>
    %eq3A_101 = arith.constant 0 : i32
    %eq3A_102 = arith.cmpi eq, %arg1, %eq3A_101 : i32
    %convert_element_type3A = arith.extui %eq3A_102 : i1 to i32
    %cond3A = arith.constant 0 : i32
    %cond3A_103 = arith.cmpi ne, %convert_element_type3A, %cond3A : i32
    scf.if %cond3A_103 {
      %broadcast_in_dim3A_142 = arith.constant -1.000000e+00 : f32
      %broadcast_in_dim3A_143 = vector.broadcast %broadcast_in_dim3A_142 : f32 to vector<1x256xf32>
      %swap3A_144 = arith.constant 0 : index
      %swap3A_145 = arith.constant 0 : index
      %swap3A_146 = vector.load %arg6[%swap3A_144, %swap3A_145] : memref<1x256xf32, #tpu.memory_space<vmem>>, vector<1x256xf32>
      tpu.vector_store %arg6[%swap3A_144, %swap3A_145], %broadcast_in_dim3A_143 {strides = array<i32>} : memref<1x256xf32, #tpu.memory_space<vmem>>, vector<1x256xf32>,
      %broadcast_in_dim3A_147 = arith.constant 0 : i32
      %broadcast_in_dim3A_148 = vector.broadcast %broadcast_in_dim3A_147 : i32 to vector<1x256xi32>
      %swap3A_149 = arith.constant 0 : index
      %swap3A_150 = arith.constant 0 : index
      %swap3A_151 = vector.load %arg7[%swap3A_149, %swap3A_150] : memref<1x256xi32, #tpu.memory_space<vmem>>, vector<1x256xi32>
      tpu.vector_store %arg7[%swap3A_149, %swap3A_150], %broadcast_in_dim3A_148 {strides = array<i32>} : memref<1x256xi32, #tpu.memory_space<vmem>>, vector<1x256xi32>,
      %broadcast_in_dim3A_152 = arith.constant -1.000000e+00 : f32
      %broadcast_in_dim3A_153 = vector.broadcast %broadcast_in_dim3A_152 : f32 to vector<1600x32xf32>
      %swap3A_154 = arith.constant 0 : index
      %swap3A_155 = arith.constant 0 : index
      %swap3A_156 = vector.load %arg8[%swap3A_154, %swap3A_155] : memref<1600x32xf32, #tpu.memory_space<vmem>>, vector<1600x32xf32>
      tpu.vector_store %arg8[%swap3A_154, %swap3A_155], %broadcast_in_dim3A_153 {strides = array<i32>} : memref<1600x32xf32, #tpu.memory_space<vmem>>, vector<1600x32xf32>,
    } else {
    }
    %get3A_104 = arith.constant 0 : index
    %get3A_105 = arith.constant 0 : index
    %get3A_106 = vector.load %arg6[%get3A_104, %get3A_105] : memref<1x256xf32, #tpu.memory_space<vmem>>, vector<1x256xf32>
    %gt3A = arith.cmpf ogt, %broadcast_in_dim3A, %get3A_106 : vector<1x256xf32>
    %get3A_107 = arith.constant 0 : index
    %get3A_108 = arith.constant 0 : index
    %get3A_109 = vector.load %arg7[%get3A_107, %get3A_108] : memref<1x256xi32, #tpu.memory_space<vmem>>, vector<1x256xi32>
    %select_n3A_110 = arith.select %gt3A, %add3A_100, %get3A_109 : vector<1x256xi1>, vector<1x256xi32>
    %swap3A = arith.constant 0 : index
    %swap3A_111 = arith.constant 0 : index
    %swap3A_112 = vector.load %arg7[%swap3A, %swap3A_111] : memref<1x256xi32, #tpu.memory_space<vmem>>, vector<1x256xi32>
    tpu.vector_store %arg7[%swap3A, %swap3A_111], %select_n3A_110 {strides = array<i32>} : memref<1x256xi32, #tpu.memory_space<vmem>>, vector<1x256xi32>,
    %get3A_113 = arith.constant 0 : index
    %get3A_114 = arith.constant 0 : index
    %get3A_115 = vector.load %arg6[%get3A_113, %get3A_114] : memref<1x256xf32, #tpu.memory_space<vmem>>, vector<1x256xf32>
    %select_n3A_116 = arith.select %gt3A, %broadcast_in_dim3A, %get3A_115 : vector<1x256xi1>, vector<1x256xf32>
    %swap3A_117 = arith.constant 0 : index
    %swap3A_118 = arith.constant 0 : index
    %swap3A_119 = vector.load %arg6[%swap3A_117, %swap3A_118] : memref<1x256xf32, #tpu.memory_space<vmem>>, vector<1x256xf32>
    tpu.vector_store %arg6[%swap3A_117, %swap3A_118], %select_n3A_116 {strides = array<i32>} : memref<1x256xf32, #tpu.memory_space<vmem>>, vector<1x256xf32>,
    %iota3A_120 = tpu.iota {dimensions = array<i32: 1>} : vector<1600x32xi32>
    %eq3A_121 = vector.broadcast %arg1 : i32 to vector<1600x32xi32>
    %eq3A_122 = arith.cmpi eq, %iota3A_120, %eq3A_121 : vector<1600x32xi32>
    %get3A_123 = arith.constant 0 : index
    %get3A_124 = arith.constant 0 : index
    %get3A_125 = arith.constant 84 : index
    %get3A_126 = vector.load %arg2[%get3A_123, %get3A_124, %get3A_125] : memref<1x1600x85xf32, #tpu.memory_space<vmem>>, vector<1x1600x1xf32>
    %get3A_127 = vector.shape_cast %get3A_126 : vector<1x1600x1xf32> to vector<1600x1xf32>
    %get3A_128 = arith.constant 0 : index
    %get3A_129 = arith.constant 0 : index
    %get3A_130 = vector.load %arg8[%get3A_128, %get3A_129] : memref<1600x32xf32, #tpu.memory_space<vmem>>, vector<1600x32xf32>
    %broadcast_in_dim3A_131 = vector.shape_cast %get3A_127 : vector<1600x1xf32> to vector<1600x1xf32>
    %broadcast_in_dim3A_132 = vector.broadcast %broadcast_in_dim3A_131 : vector<1600x1xf32> to vector<1600x32xf32>
    %select_n3A_133 = arith.select %eq3A_122, %broadcast_in_dim3A_132, %get3A_130 : vector<1600x32xi1>, vector<1600x32xf32>
    %swap3A_134 = arith.constant 0 : index
    %swap3A_135 = arith.constant 0 : index
    %swap3A_136 = vector.load %arg8[%swap3A_134, %swap3A_135] : memref<1600x32xf32, #tpu.memory_space<vmem>>, vector<1600x32xf32>
    tpu.vector_store %arg8[%swap3A_134, %swap3A_135], %select_n3A_133 {strides = array<i32>} : memref<1600x32xf32, #tpu.memory_space<vmem>>, vector<1600x32xf32>,
    %eq3A_137 = arith.constant 20 : i32
    %eq3A_138 = arith.cmpi eq, %arg1, %eq3A_137 : i32
    %convert_element_type3A_139 = arith.extui %eq3A_138 : i1 to i32
    %cond3A_140 = arith.constant 0 : i32
    %cond3A_141 = arith.cmpi ne, %convert_element_type3A_139, %cond3A_140 : i32
    scf.if %cond3A_141 {
      %get3A_142 = arith.constant 0 : index
      %get3A_143 = arith.constant 0 : index
      %get3A_144 = vector.load %arg8[%get3A_142, %get3A_143] : memref<1600x32xf32, #tpu.memory_space<vmem>>, vector<1600x32xf32>
      %max3A_145 = arith.constant 0.000000e+00 : f32
      %max3A_146 = vector.broadcast %max3A_145 : f32 to vector<1600x32xf32>
      %max3A_147 = arith.maximumf %get3A_144, %max3A_146 : vector<1600x32xf32>
      %abs3A = math.absf %get3A_144 : vector<1600x32xf32>
      %neg3A = arith.constant 0.000000e+00 : f32
      %neg3A_148 = vector.broadcast %neg3A : f32 to vector<1600x32xf32>
      %neg3A_149 = arith.subf %neg3A_148, %abs3A : vector<1600x32xf32>
      %exp3A = math.exp %neg3A_149 : vector<1600x32xf32>
      %log1p3A = math.log1p %exp3A : vector<1600x32xf32>
      %add3A_150 = arith.addf %max3A_147, %log1p3A : vector<1600x32xf32>
      %lt3A = arith.constant 21 : i32
      %lt3A_151 = vector.broadcast %lt3A : i32 to vector<1600x32xi32>
      %lt3A_152 = arith.cmpi slt, %iota3A_120, %lt3A_151 : vector<1600x32xi32>
      %jit3A_153 = arith.constant 0.000000e+00 : f32
      %broadcast_in_dim3A_154 = vector.broadcast %jit3A_153 : f32 to vector<1600x32xf32>
      %select_n3A_155 = arith.select %lt3A_152, %add3A_150, %broadcast_in_dim3A_154 : vector<1600x32xi1>, vector<1600x32xf32>
      %get3A_156 = arith.constant 0 : index
      %get3A_157 = arith.constant 0 : index
      %get3A_158 = vector.load %arg7[%get3A_156, %get3A_157] : memref<1x256xi32, #tpu.memory_space<vmem>>, vector<1x256xi32>
      %swap3A_159 = arith.constant 0 : index
      %swap3A_160 = arith.constant 0 : index
      %swap3A_161 = arith.constant 0 : index
      %swap3A_162 = vector.load %arg4[%swap3A_159, %swap3A_160, %swap3A_161] : memref<1x1x256xi32, #tpu.memory_space<vmem>>, vector<1x1x256xi32>
      %swap3A_163 = vector.shape_cast %swap3A_162 : vector<1x1x256xi32> to vector<1x256xi32>
      %swap3A_164 = vector.shape_cast %get3A_158 : vector<1x256xi32> to vector<1x1x256xi32>
      tpu.vector_store %arg4[%swap3A_159, %swap3A_160, %swap3A_161], %swap3A_164 {strides = array<i32>} : memref<1x1x256xi32, #tpu.memory_space<vmem>>, vector<1x1x256xi32>,
      %broadcast_in_dim3A_165 = arith.constant 0.000000e+00 : f32
      %broadcast_in_dim3A_166 = vector.broadcast %broadcast_in_dim3A_165 : f32 to vector<1x1xf32>
      %reduce_sum3A = vector.shape_cast %select_n3A_155 : vector<1600x32xf32> to vector<1x1600x32xf32>
      %reduce_sum3A_167 = arith.constant dense<0.000000e+00> : vector<1xf32>
      %reduce_sum3A_168 = vector.multi_reduction <add>, %reduce_sum3A, %reduce_sum3A_167 [1, 2] : vector<1x1600x32xf32> to vector<1xf32>
      %reduce_sum3A_169 = vector.shape_cast %reduce_sum3A_168 : vector<1xf32> to vector<1x1x1xf32>
      %reduce_sum3A_170 = vector.extract %reduce_sum3A_169[0, 0, 0] : f32 from vector<1x1x1xf32>
      %add3A_171 = vector.broadcast %reduce_sum3A_170 : f32 to vector<1x1xf32>
      %add3A_172 = arith.addf %broadcast_in_dim3A_166, %add3A_171 : vector<1x1xf32>
      %swap3A_173 = arith.constant 0 : index
      %swap3A_174 = arith.constant 0 : index
      %swap3A_175 = arith.constant 0 : index
      %swap3A_176 = vector.load %arg5[%swap3A_173, %swap3A_174, %swap3A_175] : memref<1x1x1xf32, #tpu.memory_space<vmem>>, vector<1x1x1xf32>
      %swap3A_177 = vector.shape_cast %swap3A_176 : vector<1x1x1xf32> to vector<1x1xf32>
      %swap3A_178 = vector.shape_cast %add3A_172 : vector<1x1xf32> to vector<1x1x1xf32>
      tpu.vector_store %arg5[%swap3A_173, %swap3A_174, %swap3A_175], %swap3A_178 {strides = array<i32>} : memref<1x1x1xf32, #tpu.memory_space<vmem>>, vector<1x1x1xf32>,
    } else {
    }
    return
  }
  func.func @transform_0(%arg0: i32, %arg1: i32) -> (i32, i32, i32) {
    %c0_i32 = arith.constant 0 : i32
    %c0_i32_0 = arith.constant 0 : i32
    return %arg0, %arg1, %c0_i32 : i32, i32, i32
  }
  func.func @transform_1(%arg0: i32, %arg1: i32) -> (i32, i32) {
    %c0_i32 = arith.constant 0 : i32
    %c0_i32_0 = arith.constant 0 : i32
    %c0_i32_1 = arith.constant 0 : i32
    return %c0_i32, %c0_i32_0 : i32, i32
  }
  func.func @transform_2(%arg0: i32, %arg1: i32) -> (i32, i32, i32) {
    %c0_i32 = arith.constant 0 : i32
    %c0_i32_0 = arith.constant 0 : i32
    %c0_i32_1 = arith.constant 0 : i32
    return %arg0, %c0_i32, %c0_i32_0 : i32, i32, i32
  }
  func.func @transform_3(%arg0: i32, %arg1: i32) -> (i32, i32, i32) {
    %c0_i32 = arith.constant 0 : i32
    %c0_i32_0 = arith.constant 0 : i32
    %c0_i32_1 = arith.constant 0 : i32
    return %arg0, %c0_i32, %c0_i32_0 : i32, i32, i32
  }
}

module attributes {stable_mosaic.version = 14 : i64} {
  func.func @_final_body(%arg0: memref<3x256x128xf32, #tpu.memory_space<vmem>>, %arg1: memref<256x6xf32, #tpu.memory_space<vmem>>, %arg2: memref<6x256xf32, #tpu.memory_space<vmem>>, %arg3: memref<3x256xi32, #tpu.memory_space<vmem>>, %arg4: memref<256x3xi32, #tpu.memory_space<vmem>>, %arg5: memref<3x1xf32, #tpu.memory_space<vmem>>, %arg6: memref<1x1xf32, #tpu.memory_space<vmem>>) attributes {dimension_semantics = [], scalar_prefetch = 0 : i64, scratch_operands = 0 : i64, tpu.core_type = #tpu.core_type<tc>} {
    %get3A = arith.constant 0 : index
    %get3A_0 = arith.constant 5 : index
    %get3A_1 = vector.load %arg1[%get3A, %get3A_0] : memref<256x6xf32, #tpu.memory_space<vmem>>, vector<256x1xf32>
    %gt3A = arith.constant 0.000000e+00 : f32
    %gt3A_2 = vector.broadcast %gt3A : f32 to vector<256x1xf32>
    %gt3A_3 = arith.cmpf ogt, %get3A_1, %gt3A_2 : vector<256x1xf32>
    %convert_element_type3A = arith.extui %gt3A_3 : vector<256x1xi1> to vector<256x1xi32>
    %convert_element_type3A_4 = arith.sitofp %convert_element_type3A : vector<256x1xi32> to vector<256x1xf32>
    %get3A_5 = arith.constant 5 : index
    %get3A_6 = arith.constant 0 : index
    %get3A_7 = vector.load %arg2[%get3A_5, %get3A_6] : memref<6x256xf32, #tpu.memory_space<vmem>>, vector<1x256xf32>
    %gt3A_8 = arith.constant 0.000000e+00 : f32
    %gt3A_9 = vector.broadcast %gt3A_8 : f32 to vector<1x256xf32>
    %gt3A_10 = arith.cmpf ogt, %get3A_7, %gt3A_9 : vector<1x256xf32>
    %convert_element_type3A_11 = arith.extui %gt3A_10 : vector<1x256xi1> to vector<1x256xi32>
    %convert_element_type3A_12 = arith.sitofp %convert_element_type3A_11 : vector<1x256xi32> to vector<1x256xf32>
    %reduce_sum3A = vector.shape_cast %convert_element_type3A_4 : vector<256x1xf32> to vector<1x256x1xf32>
    %reduce_sum3A_13 = arith.constant dense<0.000000e+00> : vector<1xf32>
    %reduce_sum3A_14 = vector.multi_reduction <add>, %reduce_sum3A, %reduce_sum3A_13 [1, 2] : vector<1x256x1xf32> to vector<1xf32>
    %reduce_sum3A_15 = vector.shape_cast %reduce_sum3A_14 : vector<1xf32> to vector<1x1x1xf32>
    %reduce_sum3A_16 = vector.extract %reduce_sum3A_15[0, 0, 0] : f32 from vector<1x1x1xf32>
    %max3A = arith.constant 1.000000e+00 : f32
    %max3A_17 = arith.maximumf %reduce_sum3A_16, %max3A : f32
    %get3A_18 = arith.constant 1 : index
    %get3A_19 = arith.constant 0 : index
    %get3A_20 = vector.load %arg2[%get3A_18, %get3A_19] : memref<6x256xf32, #tpu.memory_space<vmem>>, vector<1x256xf32>
    %get3A_21 = arith.constant 2 : index
    %get3A_22 = arith.constant 0 : index
    %get3A_23 = vector.load %arg2[%get3A_21, %get3A_22] : memref<6x256xf32, #tpu.memory_space<vmem>>, vector<1x256xf32>
    %get3A_24 = arith.constant 3 : index
    %get3A_25 = arith.constant 0 : index
    %get3A_26 = vector.load %arg2[%get3A_24, %get3A_25] : memref<6x256xf32, #tpu.memory_space<vmem>>, vector<1x256xf32>
    %get3A_27 = arith.constant 4 : index
    %get3A_28 = arith.constant 0 : index
    %get3A_29 = vector.load %arg2[%get3A_27, %get3A_28] : memref<6x256xf32, #tpu.memory_space<vmem>>, vector<1x256xf32>
    %mul3A = arith.constant 5.000000e-01 : f32
    %mul3A_30 = vector.broadcast %mul3A : f32 to vector<1x256xf32>
    %mul3A_31 = arith.mulf %get3A_26, %mul3A_30 : vector<1x256xf32>
    %sub3A = arith.subf %get3A_20, %mul3A_31 : vector<1x256xf32>
    %mul3A_32 = arith.constant 5.000000e-01 : f32
    %mul3A_33 = vector.broadcast %mul3A_32 : f32 to vector<1x256xf32>
    %mul3A_34 = arith.mulf %get3A_29, %mul3A_33 : vector<1x256xf32>
    %sub3A_35 = arith.subf %get3A_23, %mul3A_34 : vector<1x256xf32>
    %mul3A_36 = arith.constant 5.000000e-01 : f32
    %mul3A_37 = vector.broadcast %mul3A_36 : f32 to vector<1x256xf32>
    %mul3A_38 = arith.mulf %get3A_26, %mul3A_37 : vector<1x256xf32>
    %add3A = arith.addf %get3A_20, %mul3A_38 : vector<1x256xf32>
    %mul3A_39 = arith.constant 5.000000e-01 : f32
    %mul3A_40 = vector.broadcast %mul3A_39 : f32 to vector<1x256xf32>
    %mul3A_41 = arith.mulf %get3A_29, %mul3A_40 : vector<1x256xf32>
    %add3A_42 = arith.addf %get3A_23, %mul3A_41 : vector<1x256xf32>
    %sub3A_43 = arith.subf %add3A, %sub3A : vector<1x256xf32>
    %sub3A_44 = arith.subf %add3A_42, %sub3A_35 : vector<1x256xf32>
    %mul3A_45 = arith.mulf %sub3A_43, %sub3A_44 : vector<1x256xf32>
    %get3A_46 = arith.constant 0 : index
    %get3A_47 = arith.constant 0 : index
    %get3A_48 = vector.load %arg1[%get3A_46, %get3A_47] : memref<256x6xf32, #tpu.memory_space<vmem>>, vector<256x1xf32>
    %convert_element_type3A_49 = arith.fptosi %get3A_48 : vector<256x1xf32> to vector<256x1xi32>
    %iota3A = tpu.iota {dimensions = array<i32: 1>} : vector<256x80xi32>
    %eq3A = vector.broadcast %convert_element_type3A_49 : vector<256x1xi32> to vector<256x80xi32>
    %eq3A_50 = arith.cmpi eq, %iota3A, %eq3A : vector<256x80xi32>
    %get3A_51 = arith.constant 0 : index
    %get3A_52 = arith.constant 1 : index
    %get3A_53 = vector.load %arg1[%get3A_51, %get3A_52] : memref<256x6xf32, #tpu.memory_space<vmem>>, vector<256x4xf32>
    %iota3A_54 = tpu.iota {dimensions = array<i32: 0>} : vector<256x256xi32>
    %iota3A_55 = tpu.iota {dimensions = array<i32: 1>} : vector<256x256xi32>
    %lt3A = arith.cmpi slt, %iota3A_55, %iota3A_54 : vector<256x256xi32>
    %get3A_56 = arith.constant 0 : index
    %get3A_57 = arith.constant 0 : index
    %get3A_58 = arith.constant 0 : index
    %get3A_59 = vector.load %arg0[%get3A_56, %get3A_57, %get3A_58] : memref<3x256x128xf32, #tpu.memory_space<vmem>>, vector<1x256x128xf32>
    %get3A_60 = vector.shape_cast %get3A_59 : vector<1x256x128xf32> to vector<256x128xf32>
    %slice3A = vector.extract_strided_slice %get3A_60 {offsets = [0, 0], sizes = [256, 80], strides = [1, 1]} : vector<256x128xf32> to vector<256x80xf32>
    %slice3A_61 = vector.extract_strided_slice %get3A_60 {offsets = [0, 80], sizes = [256, 4], strides = [1, 1]} : vector<256x128xf32> to vector<256x4xf32>
    %slice3A_62 = vector.extract_strided_slice %get3A_60 {offsets = [0, 84], sizes = [256, 1], strides = [1, 1]} : vector<256x128xf32> to vector<256x1xf32>
    %sub3A_63 = arith.constant 1.000000e+00 : f32
    %sub3A_64 = vector.broadcast %sub3A_63 : f32 to vector<256x80xf32>
    %sub3A_65 = arith.subf %sub3A_64, %slice3A : vector<256x80xf32>
    %select_n3A = arith.select %eq3A_50, %slice3A, %sub3A_65 : vector<256x80xi1>, vector<256x80xf32>
    %sub3A_66 = arith.constant 1.000000e+00 : f32
    %sub3A_67 = vector.broadcast %sub3A_66 : f32 to vector<256x80xf32>
    %sub3A_68 = arith.subf %sub3A_67, %select_n3A : vector<256x80xf32>
    %mul3A_69 = arith.constant -2.500000e-01 : f32
    %mul3A_70 = vector.broadcast %mul3A_69 : f32 to vector<256x80xf32>
    %mul3A_71 = arith.mulf %mul3A_70, %sub3A_68 : vector<256x80xf32>
    %sub3A_72 = arith.constant 1.000000e+00 : f32
    %sub3A_73 = vector.broadcast %sub3A_72 : f32 to vector<256x80xf32>
    %sub3A_74 = arith.subf %sub3A_73, %select_n3A : vector<256x80xf32>
    %mul3A_75 = arith.mulf %mul3A_71, %sub3A_74 : vector<256x80xf32>
    %add3A_76 = arith.constant 1.000000e-07 : f32
    %add3A_77 = vector.broadcast %add3A_76 : f32 to vector<256x80xf32>
    %add3A_78 = arith.addf %select_n3A, %add3A_77 : vector<256x80xf32>
    %log3A = math.log %add3A_78 : vector<256x80xf32>
    %mul3A_79 = arith.mulf %mul3A_75, %log3A : vector<256x80xf32>
    %mul3A_80 = vector.broadcast %convert_element_type3A_4 : vector<256x1xf32> to vector<256x80xf32>
    %mul3A_81 = arith.mulf %mul3A_79, %mul3A_80 : vector<256x80xf32>
    %reduce_sum3A_82 = vector.shape_cast %mul3A_81 : vector<256x80xf32> to vector<1x256x80xf32>
    %reduce_sum3A_83 = arith.constant dense<0.000000e+00> : vector<1xf32>
    %reduce_sum3A_84 = vector.multi_reduction <add>, %reduce_sum3A_82, %reduce_sum3A_83 [1, 2] : vector<1x256x80xf32> to vector<1xf32>
    %reduce_sum3A_85 = vector.shape_cast %reduce_sum3A_84 : vector<1xf32> to vector<1x1x1xf32>
    %reduce_sum3A_86 = vector.extract %reduce_sum3A_85[0, 0, 0] : f32 from vector<1x1x1xf32>
    %mul3A_87 = arith.constant 8.000000e+01 : f32
    %mul3A_88 = arith.mulf %max3A_17, %mul3A_87 : f32
    %div3A = arith.divf %reduce_sum3A_86, %mul3A_88 : f32
    %slice3A_89 = vector.extract_strided_slice %get3A_60 {offsets = [0, 80], sizes = [256, 1], strides = [1, 1]} : vector<256x128xf32> to vector<256x1xf32>
    %slice3A_90 = vector.extract_strided_slice %get3A_60 {offsets = [0, 81], sizes = [256, 1], strides = [1, 1]} : vector<256x128xf32> to vector<256x1xf32>
    %slice3A_91 = vector.extract_strided_slice %get3A_60 {offsets = [0, 82], sizes = [256, 1], strides = [1, 1]} : vector<256x128xf32> to vector<256x1xf32>
    %slice3A_92 = vector.extract_strided_slice %get3A_60 {offsets = [0, 83], sizes = [256, 1], strides = [1, 1]} : vector<256x128xf32> to vector<256x1xf32>
    %mul3A_93 = arith.constant 5.000000e-01 : f32
    %mul3A_94 = vector.broadcast %mul3A_93 : f32 to vector<256x1xf32>
    %mul3A_95 = arith.mulf %slice3A_91, %mul3A_94 : vector<256x1xf32>
    %sub3A_96 = arith.subf %slice3A_89, %mul3A_95 : vector<256x1xf32>
    %mul3A_97 = arith.constant 5.000000e-01 : f32
    %mul3A_98 = vector.broadcast %mul3A_97 : f32 to vector<256x1xf32>
    %mul3A_99 = arith.mulf %slice3A_92, %mul3A_98 : vector<256x1xf32>
    %sub3A_100 = arith.subf %slice3A_90, %mul3A_99 : vector<256x1xf32>
    %mul3A_101 = arith.constant 5.000000e-01 : f32
    %mul3A_102 = vector.broadcast %mul3A_101 : f32 to vector<256x1xf32>
    %mul3A_103 = arith.mulf %slice3A_91, %mul3A_102 : vector<256x1xf32>
    %add3A_104 = arith.addf %slice3A_89, %mul3A_103 : vector<256x1xf32>
    %mul3A_105 = arith.constant 5.000000e-01 : f32
    %mul3A_106 = vector.broadcast %mul3A_105 : f32 to vector<256x1xf32>
    %mul3A_107 = arith.mulf %slice3A_92, %mul3A_106 : vector<256x1xf32>
    %add3A_108 = arith.addf %slice3A_90, %mul3A_107 : vector<256x1xf32>
    %sub3A_109 = arith.subf %add3A_104, %sub3A_96 : vector<256x1xf32>
    %sub3A_110 = arith.subf %add3A_108, %sub3A_100 : vector<256x1xf32>
    %mul3A_111 = arith.mulf %sub3A_109, %sub3A_110 : vector<256x1xf32>
    %max3A_112 = vector.broadcast %sub3A_96 : vector<256x1xf32> to vector<256x256xf32>
    %max3A_113 = vector.broadcast %sub3A : vector<1x256xf32> to vector<256x256xf32>
    %max3A_114 = arith.maximumf %max3A_112, %max3A_113 : vector<256x256xf32>
    %max3A_115 = vector.broadcast %sub3A_100 : vector<256x1xf32> to vector<256x256xf32>
    %max3A_116 = vector.broadcast %sub3A_35 : vector<1x256xf32> to vector<256x256xf32>
    %max3A_117 = arith.maximumf %max3A_115, %max3A_116 : vector<256x256xf32>
    %min3A = vector.broadcast %add3A_104 : vector<256x1xf32> to vector<256x256xf32>
    %min3A_118 = vector.broadcast %add3A : vector<1x256xf32> to vector<256x256xf32>
    %min3A_119 = arith.minimumf %min3A, %min3A_118 : vector<256x256xf32>
    %min3A_120 = vector.broadcast %add3A_108 : vector<256x1xf32> to vector<256x256xf32>
    %min3A_121 = vector.broadcast %add3A_42 : vector<1x256xf32> to vector<256x256xf32>
    %min3A_122 = arith.minimumf %min3A_120, %min3A_121 : vector<256x256xf32>
    %sub3A_123 = arith.subf %min3A_119, %max3A_114 : vector<256x256xf32>
    %max3A_124 = arith.constant 0.000000e+00 : f32
    %max3A_125 = vector.broadcast %max3A_124 : f32 to vector<256x256xf32>
    %max3A_126 = arith.maximumf %sub3A_123, %max3A_125 : vector<256x256xf32>
    %sub3A_127 = arith.subf %min3A_122, %max3A_117 : vector<256x256xf32>
    %max3A_128 = arith.constant 0.000000e+00 : f32
    %max3A_129 = vector.broadcast %max3A_128 : f32 to vector<256x256xf32>
    %max3A_130 = arith.maximumf %sub3A_127, %max3A_129 : vector<256x256xf32>
    %mul3A_131 = arith.mulf %max3A_126, %max3A_130 : vector<256x256xf32>
    %add3A_132 = vector.broadcast %mul3A_111 : vector<256x1xf32> to vector<256x256xf32>
    %add3A_133 = vector.broadcast %mul3A_45 : vector<1x256xf32> to vector<256x256xf32>
    %add3A_134 = arith.addf %add3A_132, %add3A_133 : vector<256x256xf32>
    %sub3A_135 = arith.subf %add3A_134, %mul3A_131 : vector<256x256xf32>
    %add3A_136 = arith.constant 1.000000e-07 : f32
    %add3A_137 = vector.broadcast %add3A_136 : f32 to vector<256x256xf32>
    %add3A_138 = arith.addf %sub3A_135, %add3A_137 : vector<256x256xf32>
    %div3A_139 = arith.divf %mul3A_131, %add3A_138 : vector<256x256xf32>
    %mul3A_140 = vector.broadcast %convert_element_type3A_4 : vector<256x1xf32> to vector<256x256xf32>
    %mul3A_141 = vector.broadcast %convert_element_type3A_12 : vector<1x256xf32> to vector<256x256xf32>
    %mul3A_142 = arith.mulf %mul3A_140, %mul3A_141 : vector<256x256xf32>
    %mul3A_143 = arith.mulf %div3A_139, %mul3A_142 : vector<256x256xf32>
    %reduce_sum3A_144 = vector.shape_cast %mul3A_143 : vector<256x256xf32> to vector<1x256x256xf32>
    %reduce_sum3A_145 = arith.constant dense<0.000000e+00> : vector<1xf32>
    %reduce_sum3A_146 = vector.multi_reduction <add>, %reduce_sum3A_144, %reduce_sum3A_145 [1, 2] : vector<1x256x256xf32> to vector<1xf32>
    %reduce_sum3A_147 = vector.shape_cast %reduce_sum3A_146 : vector<1xf32> to vector<1x1x1xf32>
    %reduce_sum3A_148 = vector.extract %reduce_sum3A_147[0, 0, 0] : f32 from vector<1x1x1xf32>
    %mul3A_149 = arith.mulf %max3A_17, %max3A_17 : f32
    %div3A_150 = arith.divf %reduce_sum3A_148, %mul3A_149 : f32
    %sub3A_151 = arith.subf %slice3A_61, %get3A_53 : vector<256x4xf32>
    %abs3A = math.absf %sub3A_151 : vector<256x4xf32>
    %lt3A_152 = arith.constant 1.000000e+00 : f32
    %lt3A_153 = vector.broadcast %lt3A_152 : f32 to vector<256x4xf32>
    %lt3A_154 = arith.cmpf olt, %abs3A, %lt3A_153 : vector<256x4xf32>
    %mul3A_155 = arith.constant 5.000000e-01 : f32
    %mul3A_156 = vector.broadcast %mul3A_155 : f32 to vector<256x4xf32>
    %mul3A_157 = arith.mulf %mul3A_156, %abs3A : vector<256x4xf32>
    %mul3A_158 = arith.mulf %mul3A_157, %abs3A : vector<256x4xf32>
    %sub3A_159 = arith.constant 5.000000e-01 : f32
    %sub3A_160 = vector.broadcast %sub3A_159 : f32 to vector<256x4xf32>
    %sub3A_161 = arith.subf %abs3A, %sub3A_160 : vector<256x4xf32>
    %select_n3A_162 = arith.select %lt3A_154, %mul3A_158, %sub3A_161 : vector<256x4xi1>, vector<256x4xf32>
    %mul3A_163 = vector.broadcast %convert_element_type3A_4 : vector<256x1xf32> to vector<256x4xf32>
    %mul3A_164 = arith.mulf %select_n3A_162, %mul3A_163 : vector<256x4xf32>
    %reduce_sum3A_165 = vector.shape_cast %mul3A_164 : vector<256x4xf32> to vector<1x256x4xf32>
    %reduce_sum3A_166 = arith.constant dense<0.000000e+00> : vector<1xf32>
    %reduce_sum3A_167 = vector.multi_reduction <add>, %reduce_sum3A_165, %reduce_sum3A_166 [1, 2] : vector<1x256x4xf32> to vector<1xf32>
    %reduce_sum3A_168 = vector.shape_cast %reduce_sum3A_167 : vector<1xf32> to vector<1x1x1xf32>
    %reduce_sum3A_169 = vector.extract %reduce_sum3A_168[0, 0, 0] : f32 from vector<1x1x1xf32>
    %mul3A_170 = arith.constant 4.000000e+00 : f32
    %mul3A_171 = arith.mulf %max3A_17, %mul3A_170 : f32
    %div3A_172 = arith.divf %reduce_sum3A_169, %mul3A_171 : f32
    %sub3A_173 = arith.constant 1.000000e+00 : f32
    %sub3A_174 = arith.subf %sub3A_173, %div3A_150 : f32
    %add3A_175 = arith.addf %sub3A_174, %div3A_172 : f32
    %get3A_176 = arith.constant 0 : index
    %get3A_177 = arith.constant 0 : index
    %get3A_178 = vector.load %arg4[%get3A_176, %get3A_177] : memref<256x3xi32, #tpu.memory_space<vmem>>, vector<256x1xi32>
    %get3A_179 = arith.constant 0 : index
    %get3A_180 = arith.constant 0 : index
    %get3A_181 = vector.load %arg3[%get3A_179, %get3A_180] : memref<3x256xi32, #tpu.memory_space<vmem>>, vector<1x256xi32>
    %eq3A_182 = vector.broadcast %get3A_178 : vector<256x1xi32> to vector<256x256xi32>
    %eq3A_183 = vector.broadcast %get3A_181 : vector<1x256xi32> to vector<256x256xi32>
    %eq3A_184 = arith.cmpi eq, %eq3A_182, %eq3A_183 : vector<256x256xi32>
    %convert_element_type3A_185 = arith.extui %eq3A_184 : vector<256x256xi1> to vector<256x256xi32>
    %convert_element_type3A_186 = arith.sitofp %convert_element_type3A_185 : vector<256x256xi32> to vector<256x256xf32>
    %convert_element_type3A_187 = arith.extui %lt3A : vector<256x256xi1> to vector<256x256xi32>
    %convert_element_type3A_188 = arith.sitofp %convert_element_type3A_187 : vector<256x256xi32> to vector<256x256xf32>
    %mul3A_189 = arith.mulf %convert_element_type3A_186, %convert_element_type3A_188 : vector<256x256xf32>
    %mul3A_190 = vector.broadcast %convert_element_type3A_12 : vector<1x256xf32> to vector<256x256xf32>
    %mul3A_191 = arith.mulf %mul3A_189, %mul3A_190 : vector<256x256xf32>
    %reduce_sum3A_192 = arith.constant dense<0.000000e+00> : vector<256xf32>
    %reduce_sum3A_193 = vector.multi_reduction <add>, %mul3A_191, %reduce_sum3A_192 [1] : vector<256x256xf32> to vector<256xf32>
    %broadcast_in_dim3A = vector.shape_cast %reduce_sum3A_193 : vector<256xf32> to vector<256x1xf32>
    %eq3A_194 = arith.constant 0.000000e+00 : f32
    %eq3A_195 = vector.broadcast %eq3A_194 : f32 to vector<256x1xf32>
    %eq3A_196 = arith.cmpf oeq, %broadcast_in_dim3A, %eq3A_195 : vector<256x1xf32>
    %convert_element_type3A_197 = arith.extui %eq3A_196 : vector<256x1xi1> to vector<256x1xi32>
    %convert_element_type3A_198 = arith.sitofp %convert_element_type3A_197 : vector<256x1xi32> to vector<256x1xf32>
    %mul3A_199 = arith.mulf %convert_element_type3A_4, %convert_element_type3A_198 : vector<256x1xf32>
    %mul3A_200 = arith.mulf %mul3A_199, %slice3A_62 : vector<256x1xf32>
    %reduce_sum3A_201 = vector.shape_cast %mul3A_200 : vector<256x1xf32> to vector<1x256x1xf32>
    %reduce_sum3A_202 = arith.constant dense<0.000000e+00> : vector<1xf32>
    %reduce_sum3A_203 = vector.multi_reduction <add>, %reduce_sum3A_201, %reduce_sum3A_202 [1, 2] : vector<1x256x1xf32> to vector<1xf32>
    %reduce_sum3A_204 = vector.shape_cast %reduce_sum3A_203 : vector<1xf32> to vector<1x1x1xf32>
    %reduce_sum3A_205 = vector.extract %reduce_sum3A_204[0, 0, 0] : f32 from vector<1x1x1xf32>
    %get3A_206 = arith.constant 0 : index
    %get3A_207 = arith.constant 0 : index
    %get3A_208 = vector.load %arg5[%get3A_206, %get3A_207] : memref<3x1xf32, #tpu.memory_space<vmem>>, vector<1x1xf32>
    %reduce_sum3A_209 = vector.shape_cast %get3A_208 : vector<1x1xf32> to vector<1x1x1xf32>
    %reduce_sum3A_210 = arith.constant dense<0.000000e+00> : vector<1xf32>
    %reduce_sum3A_211 = vector.multi_reduction <add>, %reduce_sum3A_209, %reduce_sum3A_210 [1, 2] : vector<1x1x1xf32> to vector<1xf32>
    %reduce_sum3A_212 = vector.shape_cast %reduce_sum3A_211 : vector<1xf32> to vector<1x1x1xf32>
    %reduce_sum3A_213 = vector.extract %reduce_sum3A_212[0, 0, 0] : f32 from vector<1x1x1xf32>
    %sub3A_214 = arith.subf %reduce_sum3A_213, %reduce_sum3A_205 : f32
    %div3A_215 = arith.constant 3.360000e+04 : f32
    %div3A_216 = arith.divf %sub3A_214, %div3A_215 : f32
    %gt3A_217 = arith.constant 0.000000e+00 : f32
    %gt3A_218 = arith.cmpf ogt, %reduce_sum3A_16, %gt3A_217 : f32
    %jit3A = arith.constant 0.000000e+00 : f32
    %select_n3A_219 = arith.select %gt3A_218, %div3A, %jit3A : f32
    %gt3A_220 = arith.constant 0.000000e+00 : f32
    %gt3A_221 = arith.cmpf ogt, %reduce_sum3A_16, %gt3A_220 : f32
    %jit3A_222 = arith.constant 0.000000e+00 : f32
    %select_n3A_223 = arith.select %gt3A_221, %add3A_175, %jit3A_222 : f32
    %add3A_224 = arith.addf %select_n3A_219, %select_n3A_223 : f32
    %add3A_225 = arith.addf %add3A_224, %div3A_216 : f32
    %mul3A_226 = arith.constant 5.000000e-01 : f32
    %mul3A_227 = arith.mulf %add3A_225, %mul3A_226 : f32
    %add3A_228 = arith.constant 0.000000e+00 : f32
    %add3A_229 = arith.addf %add3A_228, %mul3A_227 : f32
    %get3A_230 = arith.constant 1 : index
    %get3A_231 = arith.constant 0 : index
    %get3A_232 = arith.constant 0 : index
    %get3A_233 = vector.load %arg0[%get3A_230, %get3A_231, %get3A_232] : memref<3x256x128xf32, #tpu.memory_space<vmem>>, vector<1x256x128xf32>
    %get3A_234 = vector.shape_cast %get3A_233 : vector<1x256x128xf32> to vector<256x128xf32>
    %slice3A_235 = vector.extract_strided_slice %get3A_234 {offsets = [0, 0], sizes = [256, 80], strides = [1, 1]} : vector<256x128xf32> to vector<256x80xf32>
    %slice3A_236 = vector.extract_strided_slice %get3A_234 {offsets = [0, 80], sizes = [256, 4], strides = [1, 1]} : vector<256x128xf32> to vector<256x4xf32>
    %slice3A_237 = vector.extract_strided_slice %get3A_234 {offsets = [0, 84], sizes = [256, 1], strides = [1, 1]} : vector<256x128xf32> to vector<256x1xf32>
    %sub3A_238 = arith.constant 1.000000e+00 : f32
    %sub3A_239 = vector.broadcast %sub3A_238 : f32 to vector<256x80xf32>
    %sub3A_240 = arith.subf %sub3A_239, %slice3A_235 : vector<256x80xf32>
    %select_n3A_241 = arith.select %eq3A_50, %slice3A_235, %sub3A_240 : vector<256x80xi1>, vector<256x80xf32>
    %sub3A_242 = arith.constant 1.000000e+00 : f32
    %sub3A_243 = vector.broadcast %sub3A_242 : f32 to vector<256x80xf32>
    %sub3A_244 = arith.subf %sub3A_243, %select_n3A_241 : vector<256x80xf32>
    %mul3A_245 = arith.constant -2.500000e-01 : f32
    %mul3A_246 = vector.broadcast %mul3A_245 : f32 to vector<256x80xf32>
    %mul3A_247 = arith.mulf %mul3A_246, %sub3A_244 : vector<256x80xf32>
    %sub3A_248 = arith.constant 1.000000e+00 : f32
    %sub3A_249 = vector.broadcast %sub3A_248 : f32 to vector<256x80xf32>
    %sub3A_250 = arith.subf %sub3A_249, %select_n3A_241 : vector<256x80xf32>
    %mul3A_251 = arith.mulf %mul3A_247, %sub3A_250 : vector<256x80xf32>
    %add3A_252 = arith.constant 1.000000e-07 : f32
    %add3A_253 = vector.broadcast %add3A_252 : f32 to vector<256x80xf32>
    %add3A_254 = arith.addf %select_n3A_241, %add3A_253 : vector<256x80xf32>
    %log3A_255 = math.log %add3A_254 : vector<256x80xf32>
    %mul3A_256 = arith.mulf %mul3A_251, %log3A_255 : vector<256x80xf32>
    %mul3A_257 = vector.broadcast %convert_element_type3A_4 : vector<256x1xf32> to vector<256x80xf32>
    %mul3A_258 = arith.mulf %mul3A_256, %mul3A_257 : vector<256x80xf32>
    %reduce_sum3A_259 = vector.shape_cast %mul3A_258 : vector<256x80xf32> to vector<1x256x80xf32>
    %reduce_sum3A_260 = arith.constant dense<0.000000e+00> : vector<1xf32>
    %reduce_sum3A_261 = vector.multi_reduction <add>, %reduce_sum3A_259, %reduce_sum3A_260 [1, 2] : vector<1x256x80xf32> to vector<1xf32>
    %reduce_sum3A_262 = vector.shape_cast %reduce_sum3A_261 : vector<1xf32> to vector<1x1x1xf32>
    %reduce_sum3A_263 = vector.extract %reduce_sum3A_262[0, 0, 0] : f32 from vector<1x1x1xf32>
    %mul3A_264 = arith.constant 8.000000e+01 : f32
    %mul3A_265 = arith.mulf %max3A_17, %mul3A_264 : f32
    %div3A_266 = arith.divf %reduce_sum3A_263, %mul3A_265 : f32
    %slice3A_267 = vector.extract_strided_slice %get3A_234 {offsets = [0, 80], sizes = [256, 1], strides = [1, 1]} : vector<256x128xf32> to vector<256x1xf32>
    %slice3A_268 = vector.extract_strided_slice %get3A_234 {offsets = [0, 81], sizes = [256, 1], strides = [1, 1]} : vector<256x128xf32> to vector<256x1xf32>
    %slice3A_269 = vector.extract_strided_slice %get3A_234 {offsets = [0, 82], sizes = [256, 1], strides = [1, 1]} : vector<256x128xf32> to vector<256x1xf32>
    %slice3A_270 = vector.extract_strided_slice %get3A_234 {offsets = [0, 83], sizes = [256, 1], strides = [1, 1]} : vector<256x128xf32> to vector<256x1xf32>
    %mul3A_271 = arith.constant 5.000000e-01 : f32
    %mul3A_272 = vector.broadcast %mul3A_271 : f32 to vector<256x1xf32>
    %mul3A_273 = arith.mulf %slice3A_269, %mul3A_272 : vector<256x1xf32>
    %sub3A_274 = arith.subf %slice3A_267, %mul3A_273 : vector<256x1xf32>
    %mul3A_275 = arith.constant 5.000000e-01 : f32
    %mul3A_276 = vector.broadcast %mul3A_275 : f32 to vector<256x1xf32>
    %mul3A_277 = arith.mulf %slice3A_270, %mul3A_276 : vector<256x1xf32>
    %sub3A_278 = arith.subf %slice3A_268, %mul3A_277 : vector<256x1xf32>
    %mul3A_279 = arith.constant 5.000000e-01 : f32
    %mul3A_280 = vector.broadcast %mul3A_279 : f32 to vector<256x1xf32>
    %mul3A_281 = arith.mulf %slice3A_269, %mul3A_280 : vector<256x1xf32>
    %add3A_282 = arith.addf %slice3A_267, %mul3A_281 : vector<256x1xf32>
    %mul3A_283 = arith.constant 5.000000e-01 : f32
    %mul3A_284 = vector.broadcast %mul3A_283 : f32 to vector<256x1xf32>
    %mul3A_285 = arith.mulf %slice3A_270, %mul3A_284 : vector<256x1xf32>
    %add3A_286 = arith.addf %slice3A_268, %mul3A_285 : vector<256x1xf32>
    %sub3A_287 = arith.subf %add3A_282, %sub3A_274 : vector<256x1xf32>
    %sub3A_288 = arith.subf %add3A_286, %sub3A_278 : vector<256x1xf32>
    %mul3A_289 = arith.mulf %sub3A_287, %sub3A_288 : vector<256x1xf32>
    %max3A_290 = vector.broadcast %sub3A_274 : vector<256x1xf32> to vector<256x256xf32>
    %max3A_291 = vector.broadcast %sub3A : vector<1x256xf32> to vector<256x256xf32>
    %max3A_292 = arith.maximumf %max3A_290, %max3A_291 : vector<256x256xf32>
    %max3A_293 = vector.broadcast %sub3A_278 : vector<256x1xf32> to vector<256x256xf32>
    %max3A_294 = vector.broadcast %sub3A_35 : vector<1x256xf32> to vector<256x256xf32>
    %max3A_295 = arith.maximumf %max3A_293, %max3A_294 : vector<256x256xf32>
    %min3A_296 = vector.broadcast %add3A_282 : vector<256x1xf32> to vector<256x256xf32>
    %min3A_297 = vector.broadcast %add3A : vector<1x256xf32> to vector<256x256xf32>
    %min3A_298 = arith.minimumf %min3A_296, %min3A_297 : vector<256x256xf32>
    %min3A_299 = vector.broadcast %add3A_286 : vector<256x1xf32> to vector<256x256xf32>
    %min3A_300 = vector.broadcast %add3A_42 : vector<1x256xf32> to vector<256x256xf32>
    %min3A_301 = arith.minimumf %min3A_299, %min3A_300 : vector<256x256xf32>
    %sub3A_302 = arith.subf %min3A_298, %max3A_292 : vector<256x256xf32>
    %max3A_303 = arith.constant 0.000000e+00 : f32
    %max3A_304 = vector.broadcast %max3A_303 : f32 to vector<256x256xf32>
    %max3A_305 = arith.maximumf %sub3A_302, %max3A_304 : vector<256x256xf32>
    %sub3A_306 = arith.subf %min3A_301, %max3A_295 : vector<256x256xf32>
    %max3A_307 = arith.constant 0.000000e+00 : f32
    %max3A_308 = vector.broadcast %max3A_307 : f32 to vector<256x256xf32>
    %max3A_309 = arith.maximumf %sub3A_306, %max3A_308 : vector<256x256xf32>
    %mul3A_310 = arith.mulf %max3A_305, %max3A_309 : vector<256x256xf32>
    %add3A_311 = vector.broadcast %mul3A_289 : vector<256x1xf32> to vector<256x256xf32>
    %add3A_312 = vector.broadcast %mul3A_45 : vector<1x256xf32> to vector<256x256xf32>
    %add3A_313 = arith.addf %add3A_311, %add3A_312 : vector<256x256xf32>
    %sub3A_314 = arith.subf %add3A_313, %mul3A_310 : vector<256x256xf32>
    %add3A_315 = arith.constant 1.000000e-07 : f32
    %add3A_316 = vector.broadcast %add3A_315 : f32 to vector<256x256xf32>
    %add3A_317 = arith.addf %sub3A_314, %add3A_316 : vector<256x256xf32>
    %div3A_318 = arith.divf %mul3A_310, %add3A_317 : vector<256x256xf32>
    %mul3A_319 = vector.broadcast %convert_element_type3A_4 : vector<256x1xf32> to vector<256x256xf32>
    %mul3A_320 = vector.broadcast %convert_element_type3A_12 : vector<1x256xf32> to vector<256x256xf32>
    %mul3A_321 = arith.mulf %mul3A_319, %mul3A_320 : vector<256x256xf32>
    %mul3A_322 = arith.mulf %div3A_318, %mul3A_321 : vector<256x256xf32>
    %reduce_sum3A_323 = vector.shape_cast %mul3A_322 : vector<256x256xf32> to vector<1x256x256xf32>
    %reduce_sum3A_324 = arith.constant dense<0.000000e+00> : vector<1xf32>
    %reduce_sum3A_325 = vector.multi_reduction <add>, %reduce_sum3A_323, %reduce_sum3A_324 [1, 2] : vector<1x256x256xf32> to vector<1xf32>
    %reduce_sum3A_326 = vector.shape_cast %reduce_sum3A_325 : vector<1xf32> to vector<1x1x1xf32>
    %reduce_sum3A_327 = vector.extract %reduce_sum3A_326[0, 0, 0] : f32 from vector<1x1x1xf32>
    %mul3A_328 = arith.mulf %max3A_17, %max3A_17 : f32
    %div3A_329 = arith.divf %reduce_sum3A_327, %mul3A_328 : f32
    %sub3A_330 = arith.subf %slice3A_236, %get3A_53 : vector<256x4xf32>
    %abs3A_331 = math.absf %sub3A_330 : vector<256x4xf32>
    %lt3A_332 = arith.constant 1.000000e+00 : f32
    %lt3A_333 = vector.broadcast %lt3A_332 : f32 to vector<256x4xf32>
    %lt3A_334 = arith.cmpf olt, %abs3A_331, %lt3A_333 : vector<256x4xf32>
    %mul3A_335 = arith.constant 5.000000e-01 : f32
    %mul3A_336 = vector.broadcast %mul3A_335 : f32 to vector<256x4xf32>
    %mul3A_337 = arith.mulf %mul3A_336, %abs3A_331 : vector<256x4xf32>
    %mul3A_338 = arith.mulf %mul3A_337, %abs3A_331 : vector<256x4xf32>
    %sub3A_339 = arith.constant 5.000000e-01 : f32
    %sub3A_340 = vector.broadcast %sub3A_339 : f32 to vector<256x4xf32>
    %sub3A_341 = arith.subf %abs3A_331, %sub3A_340 : vector<256x4xf32>
    %select_n3A_342 = arith.select %lt3A_334, %mul3A_338, %sub3A_341 : vector<256x4xi1>, vector<256x4xf32>
    %mul3A_343 = vector.broadcast %convert_element_type3A_4 : vector<256x1xf32> to vector<256x4xf32>
    %mul3A_344 = arith.mulf %select_n3A_342, %mul3A_343 : vector<256x4xf32>
    %reduce_sum3A_345 = vector.shape_cast %mul3A_344 : vector<256x4xf32> to vector<1x256x4xf32>
    %reduce_sum3A_346 = arith.constant dense<0.000000e+00> : vector<1xf32>
    %reduce_sum3A_347 = vector.multi_reduction <add>, %reduce_sum3A_345, %reduce_sum3A_346 [1, 2] : vector<1x256x4xf32> to vector<1xf32>
    %reduce_sum3A_348 = vector.shape_cast %reduce_sum3A_347 : vector<1xf32> to vector<1x1x1xf32>
    %reduce_sum3A_349 = vector.extract %reduce_sum3A_348[0, 0, 0] : f32 from vector<1x1x1xf32>
    %mul3A_350 = arith.constant 4.000000e+00 : f32
    %mul3A_351 = arith.mulf %max3A_17, %mul3A_350 : f32
    %div3A_352 = arith.divf %reduce_sum3A_349, %mul3A_351 : f32
    %sub3A_353 = arith.constant 1.000000e+00 : f32
    %sub3A_354 = arith.subf %sub3A_353, %div3A_329 : f32
    %add3A_355 = arith.addf %sub3A_354, %div3A_352 : f32
    %get3A_356 = arith.constant 0 : index
    %get3A_357 = arith.constant 1 : index
    %get3A_358 = vector.load %arg4[%get3A_356, %get3A_357] : memref<256x3xi32, #tpu.memory_space<vmem>>, vector<256x1xi32>
    %get3A_359 = arith.constant 1 : index
    %get3A_360 = arith.constant 0 : index
    %get3A_361 = vector.load %arg3[%get3A_359, %get3A_360] : memref<3x256xi32, #tpu.memory_space<vmem>>, vector<1x256xi32>
    %eq3A_362 = vector.broadcast %get3A_358 : vector<256x1xi32> to vector<256x256xi32>
    %eq3A_363 = vector.broadcast %get3A_361 : vector<1x256xi32> to vector<256x256xi32>
    %eq3A_364 = arith.cmpi eq, %eq3A_362, %eq3A_363 : vector<256x256xi32>
    %convert_element_type3A_365 = arith.extui %eq3A_364 : vector<256x256xi1> to vector<256x256xi32>
    %convert_element_type3A_366 = arith.sitofp %convert_element_type3A_365 : vector<256x256xi32> to vector<256x256xf32>
    %convert_element_type3A_367 = arith.extui %lt3A : vector<256x256xi1> to vector<256x256xi32>
    %convert_element_type3A_368 = arith.sitofp %convert_element_type3A_367 : vector<256x256xi32> to vector<256x256xf32>
    %mul3A_369 = arith.mulf %convert_element_type3A_366, %convert_element_type3A_368 : vector<256x256xf32>
    %mul3A_370 = vector.broadcast %convert_element_type3A_12 : vector<1x256xf32> to vector<256x256xf32>
    %mul3A_371 = arith.mulf %mul3A_369, %mul3A_370 : vector<256x256xf32>
    %reduce_sum3A_372 = arith.constant dense<0.000000e+00> : vector<256xf32>
    %reduce_sum3A_373 = vector.multi_reduction <add>, %mul3A_371, %reduce_sum3A_372 [1] : vector<256x256xf32> to vector<256xf32>
    %broadcast_in_dim3A_374 = vector.shape_cast %reduce_sum3A_373 : vector<256xf32> to vector<256x1xf32>
    %eq3A_375 = arith.constant 0.000000e+00 : f32
    %eq3A_376 = vector.broadcast %eq3A_375 : f32 to vector<256x1xf32>
    %eq3A_377 = arith.cmpf oeq, %broadcast_in_dim3A_374, %eq3A_376 : vector<256x1xf32>
    %convert_element_type3A_378 = arith.extui %eq3A_377 : vector<256x1xi1> to vector<256x1xi32>
    %convert_element_type3A_379 = arith.sitofp %convert_element_type3A_378 : vector<256x1xi32> to vector<256x1xf32>
    %mul3A_380 = arith.mulf %convert_element_type3A_4, %convert_element_type3A_379 : vector<256x1xf32>
    %mul3A_381 = arith.mulf %mul3A_380, %slice3A_237 : vector<256x1xf32>
    %reduce_sum3A_382 = vector.shape_cast %mul3A_381 : vector<256x1xf32> to vector<1x256x1xf32>
    %reduce_sum3A_383 = arith.constant dense<0.000000e+00> : vector<1xf32>
    %reduce_sum3A_384 = vector.multi_reduction <add>, %reduce_sum3A_382, %reduce_sum3A_383 [1, 2] : vector<1x256x1xf32> to vector<1xf32>
    %reduce_sum3A_385 = vector.shape_cast %reduce_sum3A_384 : vector<1xf32> to vector<1x1x1xf32>
    %reduce_sum3A_386 = vector.extract %reduce_sum3A_385[0, 0, 0] : f32 from vector<1x1x1xf32>
    %get3A_387 = arith.constant 1 : index
    %get3A_388 = arith.constant 0 : index
    %get3A_389 = vector.load %arg5[%get3A_387, %get3A_388] : memref<3x1xf32, #tpu.memory_space<vmem>>, vector<1x1xf32>
    %reduce_sum3A_390 = vector.shape_cast %get3A_389 : vector<1x1xf32> to vector<1x1x1xf32>
    %reduce_sum3A_391 = arith.constant dense<0.000000e+00> : vector<1xf32>
    %reduce_sum3A_392 = vector.multi_reduction <add>, %reduce_sum3A_390, %reduce_sum3A_391 [1, 2] : vector<1x1x1xf32> to vector<1xf32>
    %reduce_sum3A_393 = vector.shape_cast %reduce_sum3A_392 : vector<1xf32> to vector<1x1x1xf32>
    %reduce_sum3A_394 = vector.extract %reduce_sum3A_393[0, 0, 0] : f32 from vector<1x1x1xf32>
    %sub3A_395 = arith.subf %reduce_sum3A_394, %reduce_sum3A_386 : f32
    %div3A_396 = arith.constant 3.360000e+04 : f32
    %div3A_397 = arith.divf %sub3A_395, %div3A_396 : f32
    %gt3A_398 = arith.constant 0.000000e+00 : f32
    %gt3A_399 = arith.cmpf ogt, %reduce_sum3A_16, %gt3A_398 : f32
    %jit3A_400 = arith.constant 0.000000e+00 : f32
    %select_n3A_401 = arith.select %gt3A_399, %div3A_266, %jit3A_400 : f32
    %gt3A_402 = arith.constant 0.000000e+00 : f32
    %gt3A_403 = arith.cmpf ogt, %reduce_sum3A_16, %gt3A_402 : f32
    %jit3A_404 = arith.constant 0.000000e+00 : f32
    %select_n3A_405 = arith.select %gt3A_403, %add3A_355, %jit3A_404 : f32
    %add3A_406 = arith.addf %select_n3A_401, %select_n3A_405 : f32
    %add3A_407 = arith.addf %add3A_406, %div3A_397 : f32
    %mul3A_408 = arith.constant 1.000000e+00 : f32
    %mul3A_409 = arith.mulf %add3A_407, %mul3A_408 : f32
    %add3A_410 = arith.addf %add3A_229, %mul3A_409 : f32
    %get3A_411 = arith.constant 2 : index
    %get3A_412 = arith.constant 0 : index
    %get3A_413 = arith.constant 0 : index
    %get3A_414 = vector.load %arg0[%get3A_411, %get3A_412, %get3A_413] : memref<3x256x128xf32, #tpu.memory_space<vmem>>, vector<1x256x128xf32>
    %get3A_415 = vector.shape_cast %get3A_414 : vector<1x256x128xf32> to vector<256x128xf32>
    %slice3A_416 = vector.extract_strided_slice %get3A_415 {offsets = [0, 0], sizes = [256, 80], strides = [1, 1]} : vector<256x128xf32> to vector<256x80xf32>
    %slice3A_417 = vector.extract_strided_slice %get3A_415 {offsets = [0, 80], sizes = [256, 4], strides = [1, 1]} : vector<256x128xf32> to vector<256x4xf32>
    %slice3A_418 = vector.extract_strided_slice %get3A_415 {offsets = [0, 84], sizes = [256, 1], strides = [1, 1]} : vector<256x128xf32> to vector<256x1xf32>
    %sub3A_419 = arith.constant 1.000000e+00 : f32
    %sub3A_420 = vector.broadcast %sub3A_419 : f32 to vector<256x80xf32>
    %sub3A_421 = arith.subf %sub3A_420, %slice3A_416 : vector<256x80xf32>
    %select_n3A_422 = arith.select %eq3A_50, %slice3A_416, %sub3A_421 : vector<256x80xi1>, vector<256x80xf32>
    %sub3A_423 = arith.constant 1.000000e+00 : f32
    %sub3A_424 = vector.broadcast %sub3A_423 : f32 to vector<256x80xf32>
    %sub3A_425 = arith.subf %sub3A_424, %select_n3A_422 : vector<256x80xf32>
    %mul3A_426 = arith.constant -2.500000e-01 : f32
    %mul3A_427 = vector.broadcast %mul3A_426 : f32 to vector<256x80xf32>
    %mul3A_428 = arith.mulf %mul3A_427, %sub3A_425 : vector<256x80xf32>
    %sub3A_429 = arith.constant 1.000000e+00 : f32
    %sub3A_430 = vector.broadcast %sub3A_429 : f32 to vector<256x80xf32>
    %sub3A_431 = arith.subf %sub3A_430, %select_n3A_422 : vector<256x80xf32>
    %mul3A_432 = arith.mulf %mul3A_428, %sub3A_431 : vector<256x80xf32>
    %add3A_433 = arith.constant 1.000000e-07 : f32
    %add3A_434 = vector.broadcast %add3A_433 : f32 to vector<256x80xf32>
    %add3A_435 = arith.addf %select_n3A_422, %add3A_434 : vector<256x80xf32>
    %log3A_436 = math.log %add3A_435 : vector<256x80xf32>
    %mul3A_437 = arith.mulf %mul3A_432, %log3A_436 : vector<256x80xf32>
    %mul3A_438 = vector.broadcast %convert_element_type3A_4 : vector<256x1xf32> to vector<256x80xf32>
    %mul3A_439 = arith.mulf %mul3A_437, %mul3A_438 : vector<256x80xf32>
    %reduce_sum3A_440 = vector.shape_cast %mul3A_439 : vector<256x80xf32> to vector<1x256x80xf32>
    %reduce_sum3A_441 = arith.constant dense<0.000000e+00> : vector<1xf32>
    %reduce_sum3A_442 = vector.multi_reduction <add>, %reduce_sum3A_440, %reduce_sum3A_441 [1, 2] : vector<1x256x80xf32> to vector<1xf32>
    %reduce_sum3A_443 = vector.shape_cast %reduce_sum3A_442 : vector<1xf32> to vector<1x1x1xf32>
    %reduce_sum3A_444 = vector.extract %reduce_sum3A_443[0, 0, 0] : f32 from vector<1x1x1xf32>
    %mul3A_445 = arith.constant 8.000000e+01 : f32
    %mul3A_446 = arith.mulf %max3A_17, %mul3A_445 : f32
    %div3A_447 = arith.divf %reduce_sum3A_444, %mul3A_446 : f32
    %slice3A_448 = vector.extract_strided_slice %get3A_415 {offsets = [0, 80], sizes = [256, 1], strides = [1, 1]} : vector<256x128xf32> to vector<256x1xf32>
    %slice3A_449 = vector.extract_strided_slice %get3A_415 {offsets = [0, 81], sizes = [256, 1], strides = [1, 1]} : vector<256x128xf32> to vector<256x1xf32>
    %slice3A_450 = vector.extract_strided_slice %get3A_415 {offsets = [0, 82], sizes = [256, 1], strides = [1, 1]} : vector<256x128xf32> to vector<256x1xf32>
    %slice3A_451 = vector.extract_strided_slice %get3A_415 {offsets = [0, 83], sizes = [256, 1], strides = [1, 1]} : vector<256x128xf32> to vector<256x1xf32>
    %mul3A_452 = arith.constant 5.000000e-01 : f32
    %mul3A_453 = vector.broadcast %mul3A_452 : f32 to vector<256x1xf32>
    %mul3A_454 = arith.mulf %slice3A_450, %mul3A_453 : vector<256x1xf32>
    %sub3A_455 = arith.subf %slice3A_448, %mul3A_454 : vector<256x1xf32>
    %mul3A_456 = arith.constant 5.000000e-01 : f32
    %mul3A_457 = vector.broadcast %mul3A_456 : f32 to vector<256x1xf32>
    %mul3A_458 = arith.mulf %slice3A_451, %mul3A_457 : vector<256x1xf32>
    %sub3A_459 = arith.subf %slice3A_449, %mul3A_458 : vector<256x1xf32>
    %mul3A_460 = arith.constant 5.000000e-01 : f32
    %mul3A_461 = vector.broadcast %mul3A_460 : f32 to vector<256x1xf32>
    %mul3A_462 = arith.mulf %slice3A_450, %mul3A_461 : vector<256x1xf32>
    %add3A_463 = arith.addf %slice3A_448, %mul3A_462 : vector<256x1xf32>
    %mul3A_464 = arith.constant 5.000000e-01 : f32
    %mul3A_465 = vector.broadcast %mul3A_464 : f32 to vector<256x1xf32>
    %mul3A_466 = arith.mulf %slice3A_451, %mul3A_465 : vector<256x1xf32>
    %add3A_467 = arith.addf %slice3A_449, %mul3A_466 : vector<256x1xf32>
    %sub3A_468 = arith.subf %add3A_463, %sub3A_455 : vector<256x1xf32>
    %sub3A_469 = arith.subf %add3A_467, %sub3A_459 : vector<256x1xf32>
    %mul3A_470 = arith.mulf %sub3A_468, %sub3A_469 : vector<256x1xf32>
    %max3A_471 = vector.broadcast %sub3A_455 : vector<256x1xf32> to vector<256x256xf32>
    %max3A_472 = vector.broadcast %sub3A : vector<1x256xf32> to vector<256x256xf32>
    %max3A_473 = arith.maximumf %max3A_471, %max3A_472 : vector<256x256xf32>
    %max3A_474 = vector.broadcast %sub3A_459 : vector<256x1xf32> to vector<256x256xf32>
    %max3A_475 = vector.broadcast %sub3A_35 : vector<1x256xf32> to vector<256x256xf32>
    %max3A_476 = arith.maximumf %max3A_474, %max3A_475 : vector<256x256xf32>
    %min3A_477 = vector.broadcast %add3A_463 : vector<256x1xf32> to vector<256x256xf32>
    %min3A_478 = vector.broadcast %add3A : vector<1x256xf32> to vector<256x256xf32>
    %min3A_479 = arith.minimumf %min3A_477, %min3A_478 : vector<256x256xf32>
    %min3A_480 = vector.broadcast %add3A_467 : vector<256x1xf32> to vector<256x256xf32>
    %min3A_481 = vector.broadcast %add3A_42 : vector<1x256xf32> to vector<256x256xf32>
    %min3A_482 = arith.minimumf %min3A_480, %min3A_481 : vector<256x256xf32>
    %sub3A_483 = arith.subf %min3A_479, %max3A_473 : vector<256x256xf32>
    %max3A_484 = arith.constant 0.000000e+00 : f32
    %max3A_485 = vector.broadcast %max3A_484 : f32 to vector<256x256xf32>
    %max3A_486 = arith.maximumf %sub3A_483, %max3A_485 : vector<256x256xf32>
    %sub3A_487 = arith.subf %min3A_482, %max3A_476 : vector<256x256xf32>
    %max3A_488 = arith.constant 0.000000e+00 : f32
    %max3A_489 = vector.broadcast %max3A_488 : f32 to vector<256x256xf32>
    %max3A_490 = arith.maximumf %sub3A_487, %max3A_489 : vector<256x256xf32>
    %mul3A_491 = arith.mulf %max3A_486, %max3A_490 : vector<256x256xf32>
    %add3A_492 = vector.broadcast %mul3A_470 : vector<256x1xf32> to vector<256x256xf32>
    %add3A_493 = vector.broadcast %mul3A_45 : vector<1x256xf32> to vector<256x256xf32>
    %add3A_494 = arith.addf %add3A_492, %add3A_493 : vector<256x256xf32>
    %sub3A_495 = arith.subf %add3A_494, %mul3A_491 : vector<256x256xf32>
    %add3A_496 = arith.constant 1.000000e-07 : f32
    %add3A_497 = vector.broadcast %add3A_496 : f32 to vector<256x256xf32>
    %add3A_498 = arith.addf %sub3A_495, %add3A_497 : vector<256x256xf32>
    %div3A_499 = arith.divf %mul3A_491, %add3A_498 : vector<256x256xf32>
    %mul3A_500 = vector.broadcast %convert_element_type3A_4 : vector<256x1xf32> to vector<256x256xf32>
    %mul3A_501 = vector.broadcast %convert_element_type3A_12 : vector<1x256xf32> to vector<256x256xf32>
    %mul3A_502 = arith.mulf %mul3A_500, %mul3A_501 : vector<256x256xf32>
    %mul3A_503 = arith.mulf %div3A_499, %mul3A_502 : vector<256x256xf32>
    %reduce_sum3A_504 = vector.shape_cast %mul3A_503 : vector<256x256xf32> to vector<1x256x256xf32>
    %reduce_sum3A_505 = arith.constant dense<0.000000e+00> : vector<1xf32>
    %reduce_sum3A_506 = vector.multi_reduction <add>, %reduce_sum3A_504, %reduce_sum3A_505 [1, 2] : vector<1x256x256xf32> to vector<1xf32>
    %reduce_sum3A_507 = vector.shape_cast %reduce_sum3A_506 : vector<1xf32> to vector<1x1x1xf32>
    %reduce_sum3A_508 = vector.extract %reduce_sum3A_507[0, 0, 0] : f32 from vector<1x1x1xf32>
    %mul3A_509 = arith.mulf %max3A_17, %max3A_17 : f32
    %div3A_510 = arith.divf %reduce_sum3A_508, %mul3A_509 : f32
    %sub3A_511 = arith.subf %slice3A_417, %get3A_53 : vector<256x4xf32>
    %abs3A_512 = math.absf %sub3A_511 : vector<256x4xf32>
    %lt3A_513 = arith.constant 1.000000e+00 : f32
    %lt3A_514 = vector.broadcast %lt3A_513 : f32 to vector<256x4xf32>
    %lt3A_515 = arith.cmpf olt, %abs3A_512, %lt3A_514 : vector<256x4xf32>
    %mul3A_516 = arith.constant 5.000000e-01 : f32
    %mul3A_517 = vector.broadcast %mul3A_516 : f32 to vector<256x4xf32>
    %mul3A_518 = arith.mulf %mul3A_517, %abs3A_512 : vector<256x4xf32>
    %mul3A_519 = arith.mulf %mul3A_518, %abs3A_512 : vector<256x4xf32>
    %sub3A_520 = arith.constant 5.000000e-01 : f32
    %sub3A_521 = vector.broadcast %sub3A_520 : f32 to vector<256x4xf32>
    %sub3A_522 = arith.subf %abs3A_512, %sub3A_521 : vector<256x4xf32>
    %select_n3A_523 = arith.select %lt3A_515, %mul3A_519, %sub3A_522 : vector<256x4xi1>, vector<256x4xf32>
    %mul3A_524 = vector.broadcast %convert_element_type3A_4 : vector<256x1xf32> to vector<256x4xf32>
    %mul3A_525 = arith.mulf %select_n3A_523, %mul3A_524 : vector<256x4xf32>
    %reduce_sum3A_526 = vector.shape_cast %mul3A_525 : vector<256x4xf32> to vector<1x256x4xf32>
    %reduce_sum3A_527 = arith.constant dense<0.000000e+00> : vector<1xf32>
    %reduce_sum3A_528 = vector.multi_reduction <add>, %reduce_sum3A_526, %reduce_sum3A_527 [1, 2] : vector<1x256x4xf32> to vector<1xf32>
    %reduce_sum3A_529 = vector.shape_cast %reduce_sum3A_528 : vector<1xf32> to vector<1x1x1xf32>
    %reduce_sum3A_530 = vector.extract %reduce_sum3A_529[0, 0, 0] : f32 from vector<1x1x1xf32>
    %mul3A_531 = arith.constant 4.000000e+00 : f32
    %mul3A_532 = arith.mulf %max3A_17, %mul3A_531 : f32
    %div3A_533 = arith.divf %reduce_sum3A_530, %mul3A_532 : f32
    %sub3A_534 = arith.constant 1.000000e+00 : f32
    %sub3A_535 = arith.subf %sub3A_534, %div3A_510 : f32
    %add3A_536 = arith.addf %sub3A_535, %div3A_533 : f32
    %get3A_537 = arith.constant 0 : index
    %get3A_538 = arith.constant 2 : index
    %get3A_539 = vector.load %arg4[%get3A_537, %get3A_538] : memref<256x3xi32, #tpu.memory_space<vmem>>, vector<256x1xi32>
    %get3A_540 = arith.constant 2 : index
    %get3A_541 = arith.constant 0 : index
    %get3A_542 = vector.load %arg3[%get3A_540, %get3A_541] : memref<3x256xi32, #tpu.memory_space<vmem>>, vector<1x256xi32>
    %eq3A_543 = vector.broadcast %get3A_539 : vector<256x1xi32> to vector<256x256xi32>
    %eq3A_544 = vector.broadcast %get3A_542 : vector<1x256xi32> to vector<256x256xi32>
    %eq3A_545 = arith.cmpi eq, %eq3A_543, %eq3A_544 : vector<256x256xi32>
    %convert_element_type3A_546 = arith.extui %eq3A_545 : vector<256x256xi1> to vector<256x256xi32>
    %convert_element_type3A_547 = arith.sitofp %convert_element_type3A_546 : vector<256x256xi32> to vector<256x256xf32>
    %convert_element_type3A_548 = arith.extui %lt3A : vector<256x256xi1> to vector<256x256xi32>
    %convert_element_type3A_549 = arith.sitofp %convert_element_type3A_548 : vector<256x256xi32> to vector<256x256xf32>
    %mul3A_550 = arith.mulf %convert_element_type3A_547, %convert_element_type3A_549 : vector<256x256xf32>
    %mul3A_551 = vector.broadcast %convert_element_type3A_12 : vector<1x256xf32> to vector<256x256xf32>
    %mul3A_552 = arith.mulf %mul3A_550, %mul3A_551 : vector<256x256xf32>
    %reduce_sum3A_553 = arith.constant dense<0.000000e+00> : vector<256xf32>
    %reduce_sum3A_554 = vector.multi_reduction <add>, %mul3A_552, %reduce_sum3A_553 [1] : vector<256x256xf32> to vector<256xf32>
    %broadcast_in_dim3A_555 = vector.shape_cast %reduce_sum3A_554 : vector<256xf32> to vector<256x1xf32>
    %eq3A_556 = arith.constant 0.000000e+00 : f32
    %eq3A_557 = vector.broadcast %eq3A_556 : f32 to vector<256x1xf32>
    %eq3A_558 = arith.cmpf oeq, %broadcast_in_dim3A_555, %eq3A_557 : vector<256x1xf32>
    %convert_element_type3A_559 = arith.extui %eq3A_558 : vector<256x1xi1> to vector<256x1xi32>
    %convert_element_type3A_560 = arith.sitofp %convert_element_type3A_559 : vector<256x1xi32> to vector<256x1xf32>
    %mul3A_561 = arith.mulf %convert_element_type3A_4, %convert_element_type3A_560 : vector<256x1xf32>
    %mul3A_562 = arith.mulf %mul3A_561, %slice3A_418 : vector<256x1xf32>
    %reduce_sum3A_563 = vector.shape_cast %mul3A_562 : vector<256x1xf32> to vector<1x256x1xf32>
    %reduce_sum3A_564 = arith.constant dense<0.000000e+00> : vector<1xf32>
    %reduce_sum3A_565 = vector.multi_reduction <add>, %reduce_sum3A_563, %reduce_sum3A_564 [1, 2] : vector<1x256x1xf32> to vector<1xf32>
    %reduce_sum3A_566 = vector.shape_cast %reduce_sum3A_565 : vector<1xf32> to vector<1x1x1xf32>
    %reduce_sum3A_567 = vector.extract %reduce_sum3A_566[0, 0, 0] : f32 from vector<1x1x1xf32>
    %get3A_568 = arith.constant 2 : index
    %get3A_569 = arith.constant 0 : index
    %get3A_570 = vector.load %arg5[%get3A_568, %get3A_569] : memref<3x1xf32, #tpu.memory_space<vmem>>, vector<1x1xf32>
    %reduce_sum3A_571 = vector.shape_cast %get3A_570 : vector<1x1xf32> to vector<1x1x1xf32>
    %reduce_sum3A_572 = arith.constant dense<0.000000e+00> : vector<1xf32>
    %reduce_sum3A_573 = vector.multi_reduction <add>, %reduce_sum3A_571, %reduce_sum3A_572 [1, 2] : vector<1x1x1xf32> to vector<1xf32>
    %reduce_sum3A_574 = vector.shape_cast %reduce_sum3A_573 : vector<1xf32> to vector<1x1x1xf32>
    %reduce_sum3A_575 = vector.extract %reduce_sum3A_574[0, 0, 0] : f32 from vector<1x1x1xf32>
    %sub3A_576 = arith.subf %reduce_sum3A_575, %reduce_sum3A_567 : f32
    %div3A_577 = arith.constant 3.360000e+04 : f32
    %div3A_578 = arith.divf %sub3A_576, %div3A_577 : f32
    %gt3A_579 = arith.constant 0.000000e+00 : f32
    %gt3A_580 = arith.cmpf ogt, %reduce_sum3A_16, %gt3A_579 : f32
    %jit3A_581 = arith.constant 0.000000e+00 : f32
    %select_n3A_582 = arith.select %gt3A_580, %div3A_447, %jit3A_581 : f32
    %gt3A_583 = arith.constant 0.000000e+00 : f32
    %gt3A_584 = arith.cmpf ogt, %reduce_sum3A_16, %gt3A_583 : f32
    %jit3A_585 = arith.constant 0.000000e+00 : f32
    %select_n3A_586 = arith.select %gt3A_584, %add3A_536, %jit3A_585 : f32
    %add3A_587 = arith.addf %select_n3A_582, %select_n3A_586 : f32
    %add3A_588 = arith.addf %add3A_587, %div3A_578 : f32
    %mul3A_589 = arith.constant 2.000000e+00 : f32
    %mul3A_590 = arith.mulf %add3A_588, %mul3A_589 : f32
    %add3A_591 = arith.addf %add3A_410, %mul3A_590 : f32
    %broadcast_in_dim3A_592 = arith.constant 0.000000e+00 : f32
    %broadcast_in_dim3A_593 = vector.broadcast %broadcast_in_dim3A_592 : f32 to vector<1x1xf32>
    %div3A_594 = arith.constant 3.000000e+00 : f32
    %div3A_595 = arith.divf %add3A_591, %div3A_594 : f32
    %add3A_596 = vector.broadcast %div3A_595 : f32 to vector<1x1xf32>
    %add3A_597 = arith.addf %broadcast_in_dim3A_593, %add3A_596 : vector<1x1xf32>
    %swap3A = arith.constant 0 : index
    %swap3A_598 = arith.constant 0 : index
    %swap3A_599 = vector.load %arg6[%swap3A, %swap3A_598] : memref<1x1xf32, #tpu.memory_space<vmem>>, vector<1x1xf32>
    tpu.vector_store %arg6[%swap3A, %swap3A_598], %add3A_597 {strides = array<i32>} : memref<1x1xf32, #tpu.memory_space<vmem>>, vector<1x1xf32>,
    return
  }
}

</mosaic_0001>

<sc_bundles>
// kernel: kernel.6.cloned.1.call-start
scs
__scs_entry_jumppad:
0x0: {  	(pc) =	sbr.rel $0x88, $3  }
0x1: {  	(tag) =	ssettag $0x0;
	lr =	simm.s32 $0x1  }
0x2: {  	[smem:$0x3F9F] =	sst lr;
	_ =	strace $0xD0000000  }
0x3: {  	_ = 	snop  }
0x4: {  	_ = 	snop  }
0x5: {  	_ = 	snop  }
0x6: {  	_ = 	snop  }
0x7: {  	_ = 	snop  }
__scs_overlays_trampoline_lowered:
0x8: {  	[smem:$0x3FAE] =	sst s0  }
0x9: {  	[smem:$0x3FAF] =	sst s1  }
0xa: {  	[smem:$0x3FB0] =	sst s2  }
0xb: {  	[smem:$0x3FB1] =	sst s3  }
0xc: {  	[smem:$0x3FB2] =	sst s4  }
0xd: {  	[smem:$0x3FB3] =	sst s5  }
0xe: {  	[smem:$0x3FB4] =	sst s6  }
0xf: {  	[smem:$0x3FB5] =	sst s7  }
0x10: {  	[smem:$0x3FB6] =	sst s8  }
0x11: {  	[smem:$0x3FB7] =	sst s9;
	s0 =	simm.s32 @!p0 $0x0  }
0x12: {  	s1 =	sld [smem:$0x3F9D];
	s0 =	simm.s32 @p0 $0x1  }
0x13: {  	[smem:$0x3FB8] =	sst s0;
	s0 =	simm.s32 @!p1 $0x0  }
0x14: {  	s2 =	sld [smem:$0x3F9C];
	s0 =	simm.s32 @p1 $0x1  }
0x15: {  	[smem:$0x3FB9] =	sst s0;
	s0 =	simm.s32 @!p2 $0x0  }
0x16: {  	s3 =	sld [smem:$0x3FDB];
	s0 =	simm.s32 @p2 $0x1  }
0x17: {  	s4 =	simm.s32 $0x1BF5;
	[smem:$0x3FBB] =	sst s0  }
0x18: {  	s0 =	sld [smem:$0x3F9E];
	_ =	swait.ge [sflag:s4], $0x0  }
0x19: {  	s7 =	sld [smem:$0x3F9F]  }
0x1a: {  	s8 =	sadd.s32 $0xFFFFE003, lr  }
0x1b: {  	s9 =	sadd.s32 $0xFFFFFEF7, lr;
	s5 =	simm.s32 $0xFFFFFFFF;
	p2 =	slt.u32 s8, $0xFFFFF086  }
0x1c: {  	p1 =	slt.u32 s9, $0xF7A;
	s5 =	simm.s32 @!p2 $0x0  }
0x1d: {  	s5 =	simm.s32 @p1 $0x1;
	p0 =	seq.s32 s7, s2  }
0x1e: {  	s7 =	smul.u32 @!p0 $0xF7A, s2;
	p2 =	seq.s32 @!p0 s5, $0x0  }
0x1f: {  	s9 =	smul.u32 $0xF7A, s1;
	s8 =	simm.s32 @!p0 $0x1BF5;
	p2 =	por !p2, p0  }
0x20: {  	[sflag:s8] =	ssyncset.s32 @!p0 $0xFFFFF086;
	s6 =	sadd.s32 @!p0 s3, s7;
	s7 =	simm.s32 @!p0 $0x108  }
0x21: {  	s3 =	sadd.s32 s3, s9;
	s6 =	sadd.s32 @!p0 $0x88, s6;
	s7 =	simm.s32 @p2 $0x1082  }
0x22: {  	[simem:s7], [sflag:s8] =	dma.local @!p0 [hbm:s6], $0xF7A  }
0x23: {  	s9 =	sor.u32 $0xD0000000, s2;
	s6 =	simm.s32 $0x108;
	_ =	swait.ge @!p0 [sflag:s8], $0x0  }
0x24: {  	s3 =	sadd.s32 $0x88, s3;
	s6 =	simm.s32 @!p1 $0x1082;
	[sflag:s4] =	ssyncset.s32 $0xFFFFF086  }
0x25: {  	[simem:s6], [sflag:s4] =	dma.local [hbm:s3], $0xF7A  }
0x26: {  	[smem:$0x3F9F] =	sst s1;
	(tag) =	ssettag s2;
	_ =	strace s9  }
0x27: {  	s1 =	sld [smem:$0x3FAF]  }
0x28: {  	s2 =	sld [smem:$0x3FB0]  }
0x29: {  	s4 =	sld [smem:$0x3FB2]  }
0x2a: {  	p0 =	seq.s32 s5, $0x0;
	s5 =	sld [smem:$0x3FB3]  }
0x2b: {  	s6 =	sld [smem:$0x3FB4]  }
0x2c: {  	s7 =	sld [smem:$0x3FB5]  }
0x2d: {  	s3 =	simm.s32 $0x108;
	s8 =	sld [smem:$0x3FB6]  }
0x2e: {  	s3 =	simm.s32 @!p0 $0x1082;
	s9 =	sld [smem:$0x3FB7]  }
0x2f: {  	lr =	sadd.s32 s0, s3;
	s0 =	sld [smem:$0x3FAE]  }
0x30: {  	s3 =	sld [smem:$0x3FB1]  }
0x31: {  	[smem:$0x3FBA] =	sst s10  }
0x32: {  	s10 =	sld [smem:$0x3FB8];
	_ =	sdelay $0x3  }
0x33: {  	p0 =	seq.s32 s10, $0x1;
	s10 =	sld [smem:$0x3FBA];
	_ =	sdelay $0x3  }
0x34: {  	[smem:$0x3FBA] =	sst s10  }
0x35: {  	s10 =	sld [smem:$0x3FB9];
	_ =	sdelay $0x3  }
0x36: {  	p1 =	seq.s32 s10, $0x1;
	s10 =	sld [smem:$0x3FBA];
	_ =	sdelay $0x3  }
0x37: {  	[smem:$0x3FBA] =	sst s10  }
0x38: {  	s10 =	sld [smem:$0x3FBB]  }
0x39: {  	_ = 	snop;
	(pc) =	sbr.ind lr, $3  }
0x3a: {  	_ = 	snop  }
0x3b: {  	_ = 	snop  }
0x3c: {  	p2 =	seq.s32 s10, $0x1;
	s10 =	sld [smem:$0x3FBA]  }
0x3d: {  	_ =	shalt  }
0x3e: {  	_ =	shalt  }
0x3f: {  	_ =	shalt  }
0x40: {  	_ =	shalt  }
0x41: {  	_ =	shalt  }
0x42: {  	_ =	shalt  }
0x43: {  	_ =	shalt  }
0x44: {  	_ =	shalt  }
0x45: {  	_ =	shalt  }
0x46: {  	_ =	shalt  }
0x47: {  	_ =	shalt  }
0x48: {  	_ =	shalt  }
0x49: {  	_ =	shalt  }
0x4a: {  	_ =	shalt  }
0x4b: {  	_ =	shalt  }
0x4c: {  	_ =	shalt  }
0x4d: {  	_ =	shalt  }
0x4e: {  	_ =	shalt  }
0x4f: {  	_ =	shalt  }
0x50: {  	_ =	shalt  }
0x51: {  	_ =	shalt  }
0x52: {  	_ =	shalt  }
0x53: {  	_ =	shalt  }
0x54: {  	_ =	shalt  }
0x55: {  	_ =	shalt  }
0x56: {  	_ =	shalt  }
0x57: {  	_ =	shalt  }
0x58: {  	_ =	shalt  }
0x59: {  	_ =	shalt  }
0x5a: {  	_ =	shalt  }
0x5b: {  	_ =	shalt  }
0x5c: {  	_ =	shalt  }
0x5d: {  	_ =	shalt  }
0x5e: {  	_ =	shalt  }
0x5f: {  	_ =	shalt  }
0x60: {  	_ =	shalt  }
0x61: {  	_ =	shalt  }
0x62: {  	_ =	shalt  }
0x63: {  	_ =	shalt  }
0x64: {  	_ =	shalt  }
0x65: {  	_ =	shalt  }
0x66: {  	_ =	shalt  }
0x67: {  	_ =	shalt  }
0x68: {  	_ =	shalt  }
0x69: {  	_ =	shalt  }
0x6a: {  	_ =	shalt  }
0x6b: {  	_ =	shalt  }
0x6c: {  	_ =	shalt  }
0x6d: {  	_ =	shalt  }
0x6e: {  	_ =	shalt  }
0x6f: {  	_ =	shalt  }
0x70: {  	_ =	shalt  }
0x71: {  	_ =	shalt  }
0x72: {  	_ =	shalt  }
0x73: {  	_ =	shalt  }
0x74: {  	_ =	shalt  }
0x75: {  	_ =	shalt  }
0x76: {  	_ =	shalt  }
0x77: {  	_ =	shalt  }
0x78: {  	_ =	shalt  }
0x79: {  	_ =	shalt  }
0x7a: {  	_ =	shalt  }
0x7b: {  	_ =	shalt  }
0x7c: {  	_ =	shalt  }
0x7d: {  	_ =	shalt  }
0x7e: {  	_ =	shalt  }
0x7f: {  	_ =	shalt  }
0x80: {  	_ =	shalt  }
0x81: {  	_ =	shalt  }
0x82: {  	_ =	shalt  }
0x83: {  	_ =	shalt  }
0x84: {  	_ =	shalt  }
0x85: {  	_ =	shalt  }
0x86: {  	_ =	shalt  }
0x87: {  	_ =	shalt  }
.Lfunc_end0:
.L_simem_size_0:
called_computation_lowered:
.L_overlay_start_0:
0x88: {  	s2 =	sld [smem:$0x3FD9]  }
0x89: {  	s3 =	sld [smem:$0x3FFE];
	_ =	sdelay $0x1  }
0x8a: {  	s1 =	srdreg.scid  }
0x8b: {  	s0 =	sand.u32 $0x1, s1  }
0x8c: {  	s16 =	sshll.u32 s0, $0xA;
	s2 =	sadd.s32 s3, s2  }
0x8d: {  	s2 =	sadd.s32 s2, s16  }
0x8e: {  	[smem:$0x3FC6] =	sst s2  }
0x8f: {  	_ = 	snop  }
0x90: {  	(tm) =	ssettm $0x1  }
0x91: {  	s17 =	sld [smem:$0x3FFB];
	_ =	sdelay $0x3  }
0x92: {  	_ =	strace s17  }
0x93: {  	s2 =	sld [smem:$0x3FFC];
	_ =	sdelay $0x3  }
0x94: {  	_ =	strace s2  }
0x95: {  	s2 =	sld [smem:$0x3FFD];
	_ =	sdelay $0x3  }
0x96: {  	_ =	strace s2  }
0x97: {  	_ =	strace $0x8FFFFFFF  }
0x98: {  	s18 =	sld [smem:$0x3FDB];
	_ =	sdelay $0x1  }
0x99: {  	s19 =	simm.s32 $_scs_section_size  }
0x9a: {  	s4 =	simm.s32 $_size__tile_overlayer_lowered;
	s5 =	simm.s32 $_tile_overlayer_lowered  }
0x9b: {  	s22 =	simm.s32 $0x1BFF;
	s21 =	sshll.u32 s5, $0x1;
	s2 =	sadd.s32 s19, s18  }
0x9c: {  	s6 =	simm.s32 $0x0;
	s20 =	sshll.u32 s4, $0x1;
	s4 =	sadd.s32 s21, s2  }
0x9d: {  	[timem:s6], [sflag:s22] =	dma.local [hbm:s4], s20  }
0x9e: {  	_ =	swait.ge [sflag:s22], s20  }
0x9f: {  	s3 =	ssub.s32 $0x0, s20;
	[sflag:s22] =	ssyncset.done $0x0  }
0xa0: {  	[sflag:s22] =	ssyncadd.s32 s3;
	_ =	sdelay $0x1  }
0xa1: {  	s23 =	simm.s32 $0x1B8B  }
0xa2: {  	_ =	swait.ge [sflag:s23], $0x1  }
0xa3: {  	[sflag:s23] =	ssyncset.done $0x0  }
0xa4: {  	s25 =	simm.s32 $0x1B8E;
	s24 =	sld [smem:$0x3FFE];
	[sflag:s23] =	ssyncadd.s32 $0xFFFFFFFF  }
0xa5: {  	s26 =	simm.s32 $execute0_lowered;
	[smem:$0x3FD2] =	sst s25  }
0xa6: {  	s4 =	sshll.u32 s26, $0x1;
	_ =	strace $0x80000046;
	[dreg:$0x1] =	wrdreg $0xFFFFFFFF  }
0xa7: {  	s28 =	simm.s32 $_size_execute0_lowered;
	s2 =	sadd.s32 s2, s4;
	[dreg:$0x0] =	wrdreg $0x0  }
0xa8: {  	s4 =	sshll.u32 s28, $0x1;
	[dreg:$0x2] =	wrdreg s2  }
0xa9: {  	[dreg:$0x3] =	wrdreg s4  }
0xaa: {  	[dreg:$0x4] =	wrdreg $0xC0  }
0xab: {  	_ =	task [dreg:s6], $0x5FFFF  }
0xac: {  	[dreg:$0x1] =	wrdreg $0xFFFFFFFF  }
0xad: {  	[dreg:$0x0] =	wrdreg $0x60  }
0xae: {  	[dreg:$0x2] =	wrdreg s24  }
0xaf: {  	[dreg:$0x3] =	wrdreg $0x9  }
0xb0: {  	_ =	task.clear_ibuf [dreg:s6], $0x4FFFF;
	_ =	strace $0x90000046  }
0xb1: {  	s29 =	simm.s32 $0x9;
	_ =	strace $0x80000048  }
0xb2: {  	_ =	swait.ge [sflag:s29], $0x1  }
0xb3: {  	[sflag:s29] =	ssyncadd.s32 $0xFFFFFFFF  }
0xb4: {  	_ =	strace $0x90000048  }
0xb5: {  	_ =	sfence  }
0xb6: {  	s30 =	sld [smem:$0x0];
	_ =	sdelay $0x2  }
0xb7: {  	s31 =	sshll.u32 s1, $0xD;
	s1 =	sshrl.u32 s1, $0x2  }
0xb8: {  	s3 =	sand.u32 $0x4000, s31;
	s1 =	sadd.s32 s1, s30  }
0xb9: {  	s0 =	sor.u32 s3, s0;
	s1 =	sshll.u32 s1, $0x11  }
0xba: {  	s0 =	sor.u32 s1, s0  }
0xbb: {  	s0 =	sadd.s32 $0x8F2B, s0  }
0xbc: {  	[sflag:s0] =	ssyncadd.remote.s32 $0x1  }
0xbd: {  	_ =	sfence.sel $0xFFFF  }
0xbe: {  	[dreg:$0x0] =	wrdreg $0xFFFFFFFF;
	(pc) =	sbr.abs _section_cstart, $3  }
0xbf: {  	[dreg:$0x1] =	wrdreg $0xFFFFFFFF  }
0xc0: {  	_ =	task.clear_ibuf [dreg:s6], $0x2FFFF;
	_ =	strace $0x9FFFFFFF  }
0xc1: {  	(tm) =	ssettm $0x7FFFFFFF  }
tec
execute0_lowered:
.L_overlay_start_1:
0x0: {  	(tag) =	ssettag $0x1  }
0x1: {  	s1 =	srdreg.scid;
	s0 =	stileid.u32  }
0x2: {  	s6 =	sand.u32 $0x1, s1;
	s30 =	sshll.u32 s0, $0x1  }
0x3: {  	s9 =	rddreg [dreg:$0x0];
	s7 =	sor.u32 s6, s30  }
0x4: {  	s2 =	simm.s32 $0x0;
	s1 =	rddreg [dreg:$0x1];
	s3 =	smul.u32 $0x3, s7  }
0x5: {  	s8 =	simm.s32 $0x1;
	[smem:$0x7FF] =	sst s2;
	s5 =	sadd.s32 $0x18A200, s9  }
0x6: {  	_ =	strace $0x80000047;
	s11 =	ssub.s32 $0x2, s6;
	s3 =	sadd.s32 s3, s9  }
0x7: {  	s6 =	simm.s32 $0x18;
	s4 =	sadd.s32 $0x600, s3;
	s3 =	simm.s32 $0x2  }
0x8: {  	[tilespmem:s2], [sflag:$0x2] =	stream.linear.gather [hbm4b:s4+s2], $0x18, $0x38;
	[tilespmem:$0xC80] =	vst v63  }
0x9: {  	s10 =	smul.u32 $0x180, s7;
	s12 =	sshrl.u32 s11, $0x1;
	_ =	swait.ge [sflag:s3], $0x18  }
0xa: {  	s7 =	simm.s32 $0x80;
	s31 =	ssub.s32 s11, s12;
	[sflag:s3] =	ssyncset.done $0x0  }
0xb: {  	s9 =	sadd.s32 s10, s9;
	s10 =	smax.u32 s31, $0x1;
	[sflag:s3] =	ssyncadd.s32 $0xFFFFFFE8  }
0xc: {  	[tilespmem:s7], [sflag:$0x1] =	stream.indirect.gather [hbm4b:s5+s6], $0x80, s2, s6, $0xb8;
	[tilespmem:$0xC80] =	vst v63  }
0xd: {  	p0 =	sne.s32 s10, $0x1;
	_ =	swait.ge [sflag:s8], $0xC00  }
.Ltmp0:
0xe: {  	[sflag:s8] =	ssyncset.done $0x0;
	(pc) =	sbr.rel @!p0 .LBB2_2-.Ltmp0, $4  }
0xf: {  	s9 =	sadd.s32 $0x800, s9;
	[sflag:s8] =	ssyncadd.s32 $0xFFFFF400  }
0x10: {  	[hbm4b:s9+s2] =	stream.linear.scatter [tilespmem:s7], [sflag:$0x2], $0xC00, $0x38;
	[tilespmem:$0xC80] =	vst v63  }
0x11: {  	_ =	swait.ge [sflag:s3], $0xC00  }
0x12: {  	s10 =	sadd.s32 $0xFFFFFFFF, s10;
	[sflag:s3] =	ssyncset.done $0x0  }
.LBB2_1:
0x13: {  	p0 =	sne.s32 s10, $0x1;
	s10 =	sadd.s32 $0xFFFFFFFF, s10;
	[sflag:s3] =	ssyncadd.s32 $0xFFFFF400  }
0x14: {  	[tilespmem:s2], [sflag:$0x2] =	stream.linear.gather [hbm4b:s4+s2], $0x18, $0x38;
	[tilespmem:$0xC80] =	vst v63  }
0x15: {  	_ =	swait.ge [sflag:s3], $0x18  }
0x16: {  	[sflag:s3] =	ssyncset.done $0x0  }
0x17: {  	[sflag:s3] =	ssyncadd.s32 $0xFFFFFFE8  }
0x18: {  	[tilespmem:s7], [sflag:$0x1] =	stream.indirect.gather [hbm4b:s5+s6], $0x80, s2, s6, $0xb8;
	[tilespmem:$0xC80] =	vst v63  }
0x19: {  	_ =	swait.ge [sflag:s8], $0xC00  }
.Ltmp1:
0x1a: {  	[sflag:s8] =	ssyncset.done $0x0;
	(pc) =	sbr.rel @p0 .LBB2_1-.Ltmp1, $4  }
0x1b: {  	[sflag:s8] =	ssyncadd.s32 $0xFFFFF400  }
0x1c: {  	[hbm4b:s9+s2] =	stream.linear.scatter [tilespmem:s7], [sflag:$0x2], $0xC00, $0x38;
	[tilespmem:$0xC80] =	vst v63  }
0x1d: {  	_ =	swait.ge [sflag:s3], $0xC00  }
0x1e: {  	[sflag:s3] =	ssyncset.done $0x0  }
.LBB2_2:
0x1f: {  	[sflag:s3] =	ssyncadd.s32 $0xFFFFF400  }
0x20: {  	_ =	sfence.sel $0x180000  }
0x21: {  	[bflag:$0x0] =	sbarrier.arrive $0xFFFF  }
0x22: {  	p0 =	sne.s32 s0, $0x0;
	_ =	strace $0x90000047  }
0x23: {  	s0 =	sadd.s32 @!p0 $0x100000, s1;
	[bflag:$0x2] =	sbarrier.arrive $0xFFFF  }
0x24: {  	[sflag:s0] =	ssyncadd.tile.s32 @!p0 $0x1;
	_ =	shalt  }
.Lfunc_end2:
_tile_overlayer_lowered:
.L_overlay_start_2:
0x25: {  	(tag) =	ssettag $0x2  }
0x26: {  	s0 =	rddreg [dreg:$0x0];
	s2 =	stileid.u32  }
0x27: {  	s1 =	rddreg [dreg:$0x1];
	p0 =	sne.s32 s2, $0x0  }
0x28: {  	s3 =	rddreg [dreg:$0x2];
	[bflag:$0x3] =	sbarrier.arrive $0xFFFF;
	s2 =	simm.s32 @!p0 $0x1C02  }
0x29: {  	[timem:s3], [sflag:s2] =	dma.local @!p0 [hbm:s0], s1  }
0x2a: {  	s0 =	simm.s32 @!p0 $0x2  }
0x2b: {  	_ =	swait.ge @!p0 [sflag:s0], s1  }
0x2c: {  	s1 =	ssub.s32 @!p0 $0x0, s1;
	[sflag:s0] =	ssyncset.done @!p0 $0x0  }
0x2d: {  	[sflag:s0] =	ssyncadd.s32 @!p0 s1  }
0x2e: {  	[bflag:$0x3] =	sbarrier.arrive $0xFFFF  }
0x2f: {  	_ =	shalt  }

</sc_bundles>
